<compile_context>
chip_gen: v7x
topology: tpu7x:2x2x1
jax: 0.10.2.dev20260603
libtpu: 0.0.44.dev20260713+nightly
codegen_flags: <defaults>
</compile_context>

<pallas_src>
import jax
import jax.numpy as jnp
from jax import lax
from jax.experimental import pallas as pl
from jax.experimental.pallas import tpu as pltpu
from jax.experimental.pallas import tpu_sc as plsc

NUM_EMB = 100000
DIM = 300
DIMP = 384
BATCH = 4096
SEQ = 50
SEQP = 56
TOTAL = BATCH * SEQP
NUM_WORKERS = 32
PER_WORKER = TOTAL // NUM_WORKERS
CHUNK = 2 * SEQP
NCHUNK = PER_WORKER // CHUNK


def _emb_body(idx_hbm, table_hbm, out_hbm, idx_v, rows0, rows1, gsem0, gsem1, osem0, osem1):
    wid = lax.axis_index("s") * 2 + lax.axis_index("c")
    base = wid * PER_WORKER

    pltpu.sync_copy(idx_hbm.at[pl.ds(base, PER_WORKER)], idx_v)

    rows = (rows0, rows1)
    gsems = (gsem0, gsem1)
    osems = (osem0, osem1)

    pltpu.async_copy(table_hbm.at[idx_v.at[pl.ds(0, CHUNK)]], rows0, gsem0)

    @pl.loop(0, NCHUNK, step=2)
    def _(i0):
        for b in range(2):
            i = i0 + b
            pltpu.make_async_copy(
                table_hbm.at[idx_v.at[pl.ds(i * CHUNK, CHUNK)]], rows[b], gsems[b]
            ).wait()

            @pl.when(jnp.logical_and(i >= 1, i + 1 < NCHUNK))
            def _():
                pltpu.make_async_copy(
                    rows[1 - b],
                    out_hbm.at[pl.ds(base + (i - 1) * CHUNK, CHUNK)],
                    osems[1 - b],
                ).wait()

            @pl.when(i + 1 < NCHUNK)
            def _():
                pltpu.async_copy(
                    table_hbm.at[idx_v.at[pl.ds((i + 1) * CHUNK, CHUNK)]],
                    rows[1 - b],
                    gsems[1 - b],
                )

            pltpu.async_copy(
                rows[b], out_hbm.at[pl.ds(base + i * CHUNK, CHUNK)], osems[b]
            )

    pltpu.make_async_copy(
        rows[0], out_hbm.at[pl.ds(base + (NCHUNK - 2) * CHUNK, CHUNK)], osems[0]
    ).wait()
    pltpu.make_async_copy(
        rows[1], out_hbm.at[pl.ds(base + (NCHUNK - 1) * CHUNK, CHUNK)], osems[1]
    ).wait()


@jax.jit
def kernel(x, W):
    dummy = (
        jnp.arange(BATCH, dtype=jnp.int32)[:, None] * 6
        + jnp.arange(SEQP - SEQ, dtype=jnp.int32)[None, :]
    ) % NUM_EMB
    idx = jnp.concatenate([x, dummy], axis=1).reshape(TOTAL)
    table = jnp.pad(W, ((0, 0), (0, DIMP - DIM)))
    mesh = plsc.VectorSubcoreMesh(core_axis_name="c", subcore_axis_name="s")
    out = pl.kernel(
        _emb_body,
        out_type=jax.ShapeDtypeStruct((TOTAL, DIMP), jnp.float32),
        mesh=mesh,
        scratch_types=[
            pltpu.VMEM((PER_WORKER,), jnp.int32),
            pltpu.VMEM((CHUNK, DIMP), jnp.float32),
            pltpu.VMEM((CHUNK, DIMP), jnp.float32),
            pltpu.SemaphoreType.DMA,
            pltpu.SemaphoreType.DMA,
            pltpu.SemaphoreType.DMA,
            pltpu.SemaphoreType.DMA,
        ],
        compiler_params=pltpu.CompilerParams(use_tc_tiling_on_sc=True),
    )(idx, table)
    return out.reshape(BATCH, SEQP, DIMP)[:, :SEQ, :DIM]

# --- scband reference (transcript-rebuilt; emitter-appended) ---
"""Pipeline reference for scband-input-embeddings-49830210568601 (READ-ONLY COPY).

The authoritative reference and input builder live on the scoring server;
editing this copy changes nothing except your own understanding.
"""

import jax, jax.numpy as jnp
import numpy as np

NUM_EMBEDDINGS = 100000
EMBEDDING_DIM = 300
BATCH = 4096
SEQ = 50

def setup_inputs(seed: int = 0) -> dict:
    key = jax.random.key(seed)
    k1, k2 = jax.random.split(key)
    x = jax.random.randint(k1, (BATCH, SEQ), 0, NUM_EMBEDDINGS, dtype=jnp.int32)
    # Pre-trained embedding table (stand-in for the pickle-loaded weight_dict values)
    W = jax.random.normal(k2, (NUM_EMBEDDINGS, EMBEDDING_DIM), dtype=jnp.float32)
    return {"x": x, "W": W}

def reference(x, W):
    # Faithful to InputEmbeddings.forward: out = self.embedding(x.long())
    # nn.Embedding lookup == row gather from the weight table.
    out = jnp.take(W, x, axis=0)
    return out

if __name__ == "__main__":
    import jax
    _d = setup_inputs()
    print(jax.jit(kernel)(*tuple(_d.values())))

</pallas_src>

<mosaic_0001>
#map = affine_map<(d0, d1) -> (0)>
#map1 = affine_map<(d0, d1) -> (0, 0)>
module attributes {stable_mosaic.version = 14 : i64} {
  func.func @_emb_body(%arg0: i32, %arg1: i32, %arg2: memref<229376xi32, #tpu.memory_space<hbm>>, %arg3: memref<100000x384xf32, #tpu.memory_space<hbm>>, %arg4: memref<229376x384xf32, #tpu.memory_space<hbm>>, %arg5: memref<7168xi32, #tpu.memory_space<vmem>>, %arg6: memref<112x384xf32, #tpu.memory_space<vmem>>, %arg7: memref<112x384xf32, #tpu.memory_space<vmem>>, %arg8: memref<!tpu.dma_semaphore, #tpu.memory_space<semaphore_mem>>, %arg9: memref<!tpu.dma_semaphore, #tpu.memory_space<semaphore_mem>>, %arg10: memref<!tpu.dma_semaphore, #tpu.memory_space<semaphore_mem>>, %arg11: memref<!tpu.dma_semaphore, #tpu.memory_space<semaphore_mem>>) attributes {dimension_semantics = [#tpu.dimension_semantics<core_parallel>, #tpu.dimension_semantics<subcore_parallel>], iteration_bounds = array<i64: 2, 16>, scalar_prefetch = 0 : i64, scratch_operands = 7 : i64, tpu.core_type = #tpu.core_type<sc_vector_subcore>, window_params = [{transform_indices = #map}, {transform_indices = #map1}, {transform_indices = #map1}]} {
    %mul3A = arith.constant 2 : i32
    %mul3A_0 = arith.muli %arg1, %mul3A : i32
    %add3A = arith.addi %mul3A_0, %arg0 : i32
    %mul3A_1 = arith.constant 7168 : i32
    %mul3A_2 = arith.muli %add3A, %mul3A_1 : i32
    "tpu.region"() ({
      %run_scoped3A = tpu.sem_alloc : memref<!tpu.dma_semaphore, #tpu.memory_space<semaphore_mem>>
      %dma_start3A_22 = tpu.memref_slice %arg2[%mul3A_2] : memref<229376xi32, #tpu.memory_space<hbm>> -> memref<7168xi32, #tpu.memory_space<hbm>>
      %dma_start3A_23 = tpu.memref_slice %arg2[%mul3A_2] : memref<229376xi32, #tpu.memory_space<hbm>> -> memref<7168xi32, #tpu.memory_space<hbm>>
      tpu.enqueue_dma source(%dma_start3A_23 : memref<7168xi32, #tpu.memory_space<hbm>>) target(%arg5 : memref<7168xi32, #tpu.memory_space<vmem>>) target_semaphore(%run_scoped3A : memref<!tpu.dma_semaphore, #tpu.memory_space<semaphore_mem>>)
      %dma_wait3A_24 = tpu.memref_slice %arg2[%mul3A_2] : memref<229376xi32, #tpu.memory_space<hbm>> -> memref<7168xi32, #tpu.memory_space<hbm>>
      %dma_wait3A_25 = tpu.memref_slice %arg2[%mul3A_2] : memref<229376xi32, #tpu.memory_space<hbm>> -> memref<7168xi32, #tpu.memory_space<hbm>>
      tpu.wait_dma2 semaphore(%run_scoped3A : memref<!tpu.dma_semaphore, #tpu.memory_space<semaphore_mem>>) src(%dma_wait3A_25 : memref<7168xi32, #tpu.memory_space<hbm>>) dst(%arg5 : memref<7168xi32, #tpu.memory_space<vmem>>)
      tpu.yield
    }) : () -> ()
    %dma_start3A = arith.constant 0 : i32
    %dma_start3A_3 = tpu.memref_slice %arg5[%dma_start3A] : memref<7168xi32, #tpu.memory_space<vmem>> -> memref<112xi32, #tpu.memory_space<vmem>>
    %dma_start3A_4 = arith.constant 0 : i32
    %dma_start3A_5 = arith.constant 0 : i32
    %dma_start3A_6 = tpu.memref_slice %arg3[%dma_start3A_4, %dma_start3A_5] : memref<100000x384xf32, #tpu.memory_space<hbm>> -> memref<100000x384xf32, #tpu.memory_space<hbm>>
    tpu.enqueue_indirect_dma source(%dma_start3A_6 : memref<100000x384xf32, #tpu.memory_space<hbm>>) target(%arg6 : memref<112x384xf32, #tpu.memory_space<vmem>>) offsets(%dma_start3A_3 : memref<112xi32, #tpu.memory_space<vmem>>) semaphore(%arg8 : memref<!tpu.dma_semaphore, #tpu.memory_space<semaphore_mem>>)
    %scan3A = arith.constant 0 : i32
    %scan3A_7 = arith.constant 32 : i32
    %scan3A_8 = arith.addi %scan3A, %scan3A_7 : i32
    %scan3A_9 = arith.constant 1 : i32
    scf.for %scan3A_22 = %scan3A to %scan3A_8 step %scan3A_9  : i32 {
      %mul3A_23 = arith.constant 2 : i32
      %mul3A_24 = arith.muli %scan3A_22, %mul3A_23 : i32
      %add3A_25 = arith.constant 0 : i32
      %add3A_26 = arith.addi %add3A_25, %mul3A_24 : i32
      %add3A_27 = arith.constant 0 : i32
      %add3A_28 = arith.addi %add3A_26, %add3A_27 : i32
      %mul3A_29 = arith.constant 112 : i32
      %mul3A_30 = arith.muli %add3A_28, %mul3A_29 : i32
      %dma_wait3A_31 = tpu.memref_slice %arg5[%mul3A_30] : memref<7168xi32, #tpu.memory_space<vmem>> -> memref<112xi32, #tpu.memory_space<vmem>>
      %dma_wait3A_32 = arith.constant 0 : i32
      %dma_wait3A_33 = arith.constant 0 : i32
      %dma_wait3A_34 = tpu.memref_slice %arg3[%dma_wait3A_32, %dma_wait3A_33] : memref<100000x384xf32, #tpu.memory_space<hbm>> -> memref<100000x384xf32, #tpu.memory_space<hbm>>
      tpu.wait_indirect_dma semaphore(%arg8 : memref<!tpu.dma_semaphore, #tpu.memory_space<semaphore_mem>>) src(%dma_wait3A_34 : memref<100000x384xf32, #tpu.memory_space<hbm>>) dst(%arg6 : memref<112x384xf32, #tpu.memory_space<vmem>>)
      %ge3A = arith.constant 1 : i32
      %ge3A_35 = arith.cmpi sge, %add3A_28, %ge3A : i32
      %add3A_36 = arith.constant 1 : i32
      %add3A_37 = arith.addi %add3A_28, %add3A_36 : i32
      %lt3A = arith.constant 64 : i32
      %lt3A_38 = arith.cmpi slt, %add3A_37, %lt3A : i32
      %and3A = arith.andi %ge3A_35, %lt3A_38 : i1
      %convert_element_type3A = arith.extui %and3A : i1 to i32
      %cond3A = arith.constant 0 : i32
      %cond3A_39 = arith.cmpi ne, %convert_element_type3A, %cond3A : i32
      scf.if %cond3A_39 {
        %sub3A = arith.constant 1 : i32
        %sub3A_86 = arith.subi %add3A_28, %sub3A : i32
        %mul3A_87 = arith.constant 112 : i32
        %mul3A_88 = arith.muli %sub3A_86, %mul3A_87 : i32
        %add3A_89 = arith.addi %mul3A_2, %mul3A_88 : i32
        %dma_wait3A_90 = arith.constant 0 : i32
        %dma_wait3A_91 = tpu.memref_slice %arg4[%add3A_89, %dma_wait3A_90] : memref<229376x384xf32, #tpu.memory_space<hbm>> -> memref<112x384xf32, #tpu.memory_space<hbm>>
        %dma_wait3A_92 = arith.constant 0 : i32
        %dma_wait3A_93 = tpu.memref_slice %arg4[%add3A_89, %dma_wait3A_92] : memref<229376x384xf32, #tpu.memory_space<hbm>> -> memref<112x384xf32, #tpu.memory_space<hbm>>
        tpu.wait_dma2 semaphore(%arg11 : memref<!tpu.dma_semaphore, #tpu.memory_space<semaphore_mem>>) src(%arg7 : memref<112x384xf32, #tpu.memory_space<vmem>>) dst(%dma_wait3A_93 : memref<112x384xf32, #tpu.memory_space<hbm>>)
      } else {
      }
      %add3A_40 = arith.constant 1 : i32
      %add3A_41 = arith.addi %add3A_28, %add3A_40 : i32
      %lt3A_42 = arith.constant 64 : i32
      %lt3A_43 = arith.cmpi slt, %add3A_41, %lt3A_42 : i32
      %convert_element_type3A_44 = arith.extui %lt3A_43 : i1 to i32
      %cond3A_45 = arith.constant 0 : i32
      %cond3A_46 = arith.cmpi ne, %convert_element_type3A_44, %cond3A_45 : i32
      scf.if %cond3A_46 {
        %add3A_86 = arith.constant 1 : i32
        %add3A_87 = arith.addi %add3A_28, %add3A_86 : i32
        %mul3A_88 = arith.constant 112 : i32
        %mul3A_89 = arith.muli %add3A_87, %mul3A_88 : i32
        %dma_start3A_90 = tpu.memref_slice %arg5[%mul3A_89] : memref<7168xi32, #tpu.memory_space<vmem>> -> memref<112xi32, #tpu.memory_space<vmem>>
        %dma_start3A_91 = arith.constant 0 : i32
        %dma_start3A_92 = arith.constant 0 : i32
        %dma_start3A_93 = tpu.memref_slice %arg3[%dma_start3A_91, %dma_start3A_92] : memref<100000x384xf32, #tpu.memory_space<hbm>> -> memref<100000x384xf32, #tpu.memory_space<hbm>>
        tpu.enqueue_indirect_dma source(%dma_start3A_93 : memref<100000x384xf32, #tpu.memory_space<hbm>>) target(%arg7 : memref<112x384xf32, #tpu.memory_space<vmem>>) offsets(%dma_start3A_90 : memref<112xi32, #tpu.memory_space<vmem>>) semaphore(%arg9 : memref<!tpu.dma_semaphore, #tpu.memory_space<semaphore_mem>>)
      } else {
      }
      %mul3A_47 = arith.constant 112 : i32
      %mul3A_48 = arith.muli %add3A_28, %mul3A_47 : i32
      %add3A_49 = arith.addi %mul3A_2, %mul3A_48 : i32
      %dma_start3A_50 = arith.constant 0 : i32
      %dma_start3A_51 = tpu.memref_slice %arg4[%add3A_49, %dma_start3A_50] : memref<229376x384xf32, #tpu.memory_space<hbm>> -> memref<112x384xf32, #tpu.memory_space<hbm>>
      %dma_start3A_52 = arith.constant 0 : i32
      %dma_start3A_53 = tpu.memref_slice %arg4[%add3A_49, %dma_start3A_52] : memref<229376x384xf32, #tpu.memory_space<hbm>> -> memref<112x384xf32, #tpu.memory_space<hbm>>
      tpu.enqueue_dma source(%arg6 : memref<112x384xf32, #tpu.memory_space<vmem>>) target(%dma_start3A_53 : memref<112x384xf32, #tpu.memory_space<hbm>>) target_semaphore(%arg10 : memref<!tpu.dma_semaphore, #tpu.memory_space<semaphore_mem>>)
      %add3A_54 = arith.constant 1 : i32
      %add3A_55 = arith.addi %add3A_26, %add3A_54 : i32
      %mul3A_56 = arith.constant 112 : i32
      %mul3A_57 = arith.muli %add3A_55, %mul3A_56 : i32
      %dma_wait3A_58 = tpu.memref_slice %arg5[%mul3A_57] : memref<7168xi32, #tpu.memory_space<vmem>> -> memref<112xi32, #tpu.memory_space<vmem>>
      %dma_wait3A_59 = arith.constant 0 : i32
      %dma_wait3A_60 = arith.constant 0 : i32
      %dma_wait3A_61 = tpu.memref_slice %arg3[%dma_wait3A_59, %dma_wait3A_60] : memref<100000x384xf32, #tpu.memory_space<hbm>> -> memref<100000x384xf32, #tpu.memory_space<hbm>>
      tpu.wait_indirect_dma semaphore(%arg9 : memref<!tpu.dma_semaphore, #tpu.memory_space<semaphore_mem>>) src(%dma_wait3A_61 : memref<100000x384xf32, #tpu.memory_space<hbm>>) dst(%arg7 : memref<112x384xf32, #tpu.memory_space<vmem>>)
      %ge3A_62 = arith.constant 1 : i32
      %ge3A_63 = arith.cmpi sge, %add3A_55, %ge3A_62 : i32
      %add3A_64 = arith.constant 1 : i32
      %add3A_65 = arith.addi %add3A_55, %add3A_64 : i32
      %lt3A_66 = arith.constant 64 : i32
      %lt3A_67 = arith.cmpi slt, %add3A_65, %lt3A_66 : i32
      %and3A_68 = arith.andi %ge3A_63, %lt3A_67 : i1
      %convert_element_type3A_69 = arith.extui %and3A_68 : i1 to i32
      %cond3A_70 = arith.constant 0 : i32
      %cond3A_71 = arith.cmpi ne, %convert_element_type3A_69, %cond3A_70 : i32
      scf.if %cond3A_71 {
        %sub3A = arith.constant 1 : i32
        %sub3A_86 = arith.subi %add3A_55, %sub3A : i32
        %mul3A_87 = arith.constant 112 : i32
        %mul3A_88 = arith.muli %sub3A_86, %mul3A_87 : i32
        %add3A_89 = arith.addi %mul3A_2, %mul3A_88 : i32
        %dma_wait3A_90 = arith.constant 0 : i32
        %dma_wait3A_91 = tpu.memref_slice %arg4[%add3A_89, %dma_wait3A_90] : memref<229376x384xf32, #tpu.memory_space<hbm>> -> memref<112x384xf32, #tpu.memory_space<hbm>>
        %dma_wait3A_92 = arith.constant 0 : i32
        %dma_wait3A_93 = tpu.memref_slice %arg4[%add3A_89, %dma_wait3A_92] : memref<229376x384xf32, #tpu.memory_space<hbm>> -> memref<112x384xf32, #tpu.memory_space<hbm>>
        tpu.wait_dma2 semaphore(%arg10 : memref<!tpu.dma_semaphore, #tpu.memory_space<semaphore_mem>>) src(%arg6 : memref<112x384xf32, #tpu.memory_space<vmem>>) dst(%dma_wait3A_93 : memref<112x384xf32, #tpu.memory_space<hbm>>)
      } else {
      }
      %add3A_72 = arith.constant 1 : i32
      %add3A_73 = arith.addi %add3A_55, %add3A_72 : i32
      %lt3A_74 = arith.constant 64 : i32
      %lt3A_75 = arith.cmpi slt, %add3A_73, %lt3A_74 : i32
      %convert_element_type3A_76 = arith.extui %lt3A_75 : i1 to i32
      %cond3A_77 = arith.constant 0 : i32
      %cond3A_78 = arith.cmpi ne, %convert_element_type3A_76, %cond3A_77 : i32
      scf.if %cond3A_78 {
        %add3A_86 = arith.constant 1 : i32
        %add3A_87 = arith.addi %add3A_55, %add3A_86 : i32
        %mul3A_88 = arith.constant 112 : i32
        %mul3A_89 = arith.muli %add3A_87, %mul3A_88 : i32
        %dma_start3A_90 = tpu.memref_slice %arg5[%mul3A_89] : memref<7168xi32, #tpu.memory_space<vmem>> -> memref<112xi32, #tpu.memory_space<vmem>>
        %dma_start3A_91 = arith.constant 0 : i32
        %dma_start3A_92 = arith.constant 0 : i32
        %dma_start3A_93 = tpu.memref_slice %arg3[%dma_start3A_91, %dma_start3A_92] : memref<100000x384xf32, #tpu.memory_space<hbm>> -> memref<100000x384xf32, #tpu.memory_space<hbm>>
        tpu.enqueue_indirect_dma source(%dma_start3A_93 : memref<100000x384xf32, #tpu.memory_space<hbm>>) target(%arg6 : memref<112x384xf32, #tpu.memory_space<vmem>>) offsets(%dma_start3A_90 : memref<112xi32, #tpu.memory_space<vmem>>) semaphore(%arg8 : memref<!tpu.dma_semaphore, #tpu.memory_space<semaphore_mem>>)
      } else {
      }
      %mul3A_79 = arith.constant 112 : i32
      %mul3A_80 = arith.muli %add3A_55, %mul3A_79 : i32
      %add3A_81 = arith.addi %mul3A_2, %mul3A_80 : i32
      %dma_start3A_82 = arith.constant 0 : i32
      %dma_start3A_83 = tpu.memref_slice %arg4[%add3A_81, %dma_start3A_82] : memref<229376x384xf32, #tpu.memory_space<hbm>> -> memref<112x384xf32, #tpu.memory_space<hbm>>
      %dma_start3A_84 = arith.constant 0 : i32
      %dma_start3A_85 = tpu.memref_slice %arg4[%add3A_81, %dma_start3A_84] : memref<229376x384xf32, #tpu.memory_space<hbm>> -> memref<112x384xf32, #tpu.memory_space<hbm>>
      tpu.enqueue_dma source(%arg7 : memref<112x384xf32, #tpu.memory_space<vmem>>) target(%dma_start3A_85 : memref<112x384xf32, #tpu.memory_space<hbm>>) target_semaphore(%arg11 : memref<!tpu.dma_semaphore, #tpu.memory_space<semaphore_mem>>)
    }
    %scan3A_10 = arith.constant 32 : i32
    %add3A_11 = arith.constant 6944 : i32
    %add3A_12 = arith.addi %mul3A_2, %add3A_11 : i32
    %dma_wait3A = arith.constant 0 : i32
    %dma_wait3A_13 = tpu.memref_slice %arg4[%add3A_12, %dma_wait3A] : memref<229376x384xf32, #tpu.memory_space<hbm>> -> memref<112x384xf32, #tpu.memory_space<hbm>>
    %dma_wait3A_14 = arith.constant 0 : i32
    %dma_wait3A_15 = tpu.memref_slice %arg4[%add3A_12, %dma_wait3A_14] : memref<229376x384xf32, #tpu.memory_space<hbm>> -> memref<112x384xf32, #tpu.memory_space<hbm>>
    tpu.wait_dma2 semaphore(%arg10 : memref<!tpu.dma_semaphore, #tpu.memory_space<semaphore_mem>>) src(%arg6 : memref<112x384xf32, #tpu.memory_space<vmem>>) dst(%dma_wait3A_15 : memref<112x384xf32, #tpu.memory_space<hbm>>)
    %add3A_16 = arith.constant 7056 : i32
    %add3A_17 = arith.addi %mul3A_2, %add3A_16 : i32
    %dma_wait3A_18 = arith.constant 0 : i32
    %dma_wait3A_19 = tpu.memref_slice %arg4[%add3A_17, %dma_wait3A_18] : memref<229376x384xf32, #tpu.memory_space<hbm>> -> memref<112x384xf32, #tpu.memory_space<hbm>>
    %dma_wait3A_20 = arith.constant 0 : i32
    %dma_wait3A_21 = tpu.memref_slice %arg4[%add3A_17, %dma_wait3A_20] : memref<229376x384xf32, #tpu.memory_space<hbm>> -> memref<112x384xf32, #tpu.memory_space<hbm>>
    tpu.wait_dma2 semaphore(%arg11 : memref<!tpu.dma_semaphore, #tpu.memory_space<semaphore_mem>>) src(%arg7 : memref<112x384xf32, #tpu.memory_space<vmem>>) dst(%dma_wait3A_21 : memref<112x384xf32, #tpu.memory_space<hbm>>)
    return
  }
}

</mosaic_0001>

<sc_bundles>
// kernel: kernel.3.cloned.1.call-start
scs
__scs_entry_jumppad:
0x0: {  	(pc) =	sbr.rel $0x88, $3  }
0x1: {  	(tag) =	ssettag $0x0;
	lr =	simm.s32 $0x1  }
0x2: {  	[smem:$0x3F9F] =	sst lr;
	_ =	strace $0xD0000000  }
0x3: {  	_ = 	snop  }
0x4: {  	_ = 	snop  }
0x5: {  	_ = 	snop  }
0x6: {  	_ = 	snop  }
0x7: {  	_ = 	snop  }
__scs_overlays_trampoline_lowered:
0x8: {  	[smem:$0x3FAE] =	sst s0  }
0x9: {  	[smem:$0x3FAF] =	sst s1  }
0xa: {  	[smem:$0x3FB0] =	sst s2  }
0xb: {  	[smem:$0x3FB1] =	sst s3  }
0xc: {  	[smem:$0x3FB2] =	sst s4  }
0xd: {  	[smem:$0x3FB3] =	sst s5  }
0xe: {  	[smem:$0x3FB4] =	sst s6  }
0xf: {  	[smem:$0x3FB5] =	sst s7  }
0x10: {  	[smem:$0x3FB6] =	sst s8  }
0x11: {  	[smem:$0x3FB7] =	sst s9;
	s0 =	simm.s32 @!p0 $0x0  }
0x12: {  	s1 =	sld [smem:$0x3F9D];
	s0 =	simm.s32 @p0 $0x1  }
0x13: {  	[smem:$0x3FB8] =	sst s0;
	s0 =	simm.s32 @!p1 $0x0  }
0x14: {  	s2 =	sld [smem:$0x3F9C];
	s0 =	simm.s32 @p1 $0x1  }
0x15: {  	[smem:$0x3FB9] =	sst s0;
	s0 =	simm.s32 @!p2 $0x0  }
0x16: {  	s3 =	sld [smem:$0x3FDB];
	s0 =	simm.s32 @p2 $0x1  }
0x17: {  	s4 =	simm.s32 $0x1BF5;
	[smem:$0x3FBB] =	sst s0  }
0x18: {  	s0 =	sld [smem:$0x3F9E];
	_ =	swait.ge [sflag:s4], $0x0  }
0x19: {  	s7 =	sld [smem:$0x3F9F]  }
0x1a: {  	s8 =	sadd.s32 $0xFFFFE003, lr  }
0x1b: {  	s9 =	sadd.s32 $0xFFFFFEF7, lr;
	s5 =	simm.s32 $0xFFFFFFFF;
	p2 =	slt.u32 s8, $0xFFFFF086  }
0x1c: {  	p1 =	slt.u32 s9, $0xF7A;
	s5 =	simm.s32 @!p2 $0x0  }
0x1d: {  	s5 =	simm.s32 @p1 $0x1;
	p0 =	seq.s32 s7, s2  }
0x1e: {  	s7 =	smul.u32 @!p0 $0xF7A, s2;
	p2 =	seq.s32 @!p0 s5, $0x0  }
0x1f: {  	s9 =	smul.u32 $0xF7A, s1;
	s8 =	simm.s32 @!p0 $0x1BF5;
	p2 =	por !p2, p0  }
0x20: {  	[sflag:s8] =	ssyncset.s32 @!p0 $0xFFFFF086;
	s6 =	sadd.s32 @!p0 s3, s7;
	s7 =	simm.s32 @!p0 $0x108  }
0x21: {  	s3 =	sadd.s32 s3, s9;
	s6 =	sadd.s32 @!p0 $0x88, s6;
	s7 =	simm.s32 @p2 $0x1082  }
0x22: {  	[simem:s7], [sflag:s8] =	dma.local @!p0 [hbm:s6], $0xF7A  }
0x23: {  	s9 =	sor.u32 $0xD0000000, s2;
	s6 =	simm.s32 $0x108;
	_ =	swait.ge @!p0 [sflag:s8], $0x0  }
0x24: {  	s3 =	sadd.s32 $0x88, s3;
	s6 =	simm.s32 @!p1 $0x1082;
	[sflag:s4] =	ssyncset.s32 $0xFFFFF086  }
0x25: {  	[simem:s6], [sflag:s4] =	dma.local [hbm:s3], $0xF7A  }
0x26: {  	[smem:$0x3F9F] =	sst s1;
	(tag) =	ssettag s2;
	_ =	strace s9  }
0x27: {  	s1 =	sld [smem:$0x3FAF]  }
0x28: {  	s2 =	sld [smem:$0x3FB0]  }
0x29: {  	s4 =	sld [smem:$0x3FB2]  }
0x2a: {  	p0 =	seq.s32 s5, $0x0;
	s5 =	sld [smem:$0x3FB3]  }
0x2b: {  	s6 =	sld [smem:$0x3FB4]  }
0x2c: {  	s7 =	sld [smem:$0x3FB5]  }
0x2d: {  	s3 =	simm.s32 $0x108;
	s8 =	sld [smem:$0x3FB6]  }
0x2e: {  	s3 =	simm.s32 @!p0 $0x1082;
	s9 =	sld [smem:$0x3FB7]  }
0x2f: {  	lr =	sadd.s32 s0, s3;
	s0 =	sld [smem:$0x3FAE]  }
0x30: {  	s3 =	sld [smem:$0x3FB1]  }
0x31: {  	[smem:$0x3FBA] =	sst s10  }
0x32: {  	s10 =	sld [smem:$0x3FB8];
	_ =	sdelay $0x3  }
0x33: {  	p0 =	seq.s32 s10, $0x1;
	s10 =	sld [smem:$0x3FBA];
	_ =	sdelay $0x3  }
0x34: {  	[smem:$0x3FBA] =	sst s10  }
0x35: {  	s10 =	sld [smem:$0x3FB9];
	_ =	sdelay $0x3  }
0x36: {  	p1 =	seq.s32 s10, $0x1;
	s10 =	sld [smem:$0x3FBA];
	_ =	sdelay $0x3  }
0x37: {  	[smem:$0x3FBA] =	sst s10  }
0x38: {  	s10 =	sld [smem:$0x3FBB]  }
0x39: {  	_ = 	snop;
	(pc) =	sbr.ind lr, $3  }
0x3a: {  	_ = 	snop  }
0x3b: {  	_ = 	snop  }
0x3c: {  	p2 =	seq.s32 s10, $0x1;
	s10 =	sld [smem:$0x3FBA]  }
0x3d: {  	_ =	shalt  }
0x3e: {  	_ =	shalt  }
0x3f: {  	_ =	shalt  }
0x40: {  	_ =	shalt  }
0x41: {  	_ =	shalt  }
0x42: {  	_ =	shalt  }
0x43: {  	_ =	shalt  }
0x44: {  	_ =	shalt  }
0x45: {  	_ =	shalt  }
0x46: {  	_ =	shalt  }
0x47: {  	_ =	shalt  }
0x48: {  	_ =	shalt  }
0x49: {  	_ =	shalt  }
0x4a: {  	_ =	shalt  }
0x4b: {  	_ =	shalt  }
0x4c: {  	_ =	shalt  }
0x4d: {  	_ =	shalt  }
0x4e: {  	_ =	shalt  }
0x4f: {  	_ =	shalt  }
0x50: {  	_ =	shalt  }
0x51: {  	_ =	shalt  }
0x52: {  	_ =	shalt  }
0x53: {  	_ =	shalt  }
0x54: {  	_ =	shalt  }
0x55: {  	_ =	shalt  }
0x56: {  	_ =	shalt  }
0x57: {  	_ =	shalt  }
0x58: {  	_ =	shalt  }
0x59: {  	_ =	shalt  }
0x5a: {  	_ =	shalt  }
0x5b: {  	_ =	shalt  }
0x5c: {  	_ =	shalt  }
0x5d: {  	_ =	shalt  }
0x5e: {  	_ =	shalt  }
0x5f: {  	_ =	shalt  }
0x60: {  	_ =	shalt  }
0x61: {  	_ =	shalt  }
0x62: {  	_ =	shalt  }
0x63: {  	_ =	shalt  }
0x64: {  	_ =	shalt  }
0x65: {  	_ =	shalt  }
0x66: {  	_ =	shalt  }
0x67: {  	_ =	shalt  }
0x68: {  	_ =	shalt  }
0x69: {  	_ =	shalt  }
0x6a: {  	_ =	shalt  }
0x6b: {  	_ =	shalt  }
0x6c: {  	_ =	shalt  }
0x6d: {  	_ =	shalt  }
0x6e: {  	_ =	shalt  }
0x6f: {  	_ =	shalt  }
0x70: {  	_ =	shalt  }
0x71: {  	_ =	shalt  }
0x72: {  	_ =	shalt  }
0x73: {  	_ =	shalt  }
0x74: {  	_ =	shalt  }
0x75: {  	_ =	shalt  }
0x76: {  	_ =	shalt  }
0x77: {  	_ =	shalt  }
0x78: {  	_ =	shalt  }
0x79: {  	_ =	shalt  }
0x7a: {  	_ =	shalt  }
0x7b: {  	_ =	shalt  }
0x7c: {  	_ =	shalt  }
0x7d: {  	_ =	shalt  }
0x7e: {  	_ =	shalt  }
0x7f: {  	_ =	shalt  }
0x80: {  	_ =	shalt  }
0x81: {  	_ =	shalt  }
0x82: {  	_ =	shalt  }
0x83: {  	_ =	shalt  }
0x84: {  	_ =	shalt  }
0x85: {  	_ =	shalt  }
0x86: {  	_ =	shalt  }
0x87: {  	_ =	shalt  }
.Lfunc_end0:
.L_simem_size_0:
called_computation.1_lowered:
.L_overlay_start_0:
0x88: {  	s2 =	sld [smem:$0x3FD9]  }
0x89: {  	s3 =	sld [smem:$0x3FFE];
	_ =	sdelay $0x1  }
0x8a: {  	s1 =	srdreg.scid  }
0x8b: {  	s0 =	sand.u32 $0x1, s1  }
0x8c: {  	s16 =	sshll.u32 s0, $0xA;
	s2 =	sadd.s32 s3, s2  }
0x8d: {  	s2 =	sadd.s32 s2, s16  }
0x8e: {  	[smem:$0x3FC6] =	sst s2  }
0x8f: {  	_ = 	snop  }
0x90: {  	(tm) =	ssettm $0x1  }
0x91: {  	s17 =	sld [smem:$0x3FFB];
	_ =	sdelay $0x3  }
0x92: {  	_ =	strace s17  }
0x93: {  	s2 =	sld [smem:$0x3FFC];
	_ =	sdelay $0x3  }
0x94: {  	_ =	strace s2  }
0x95: {  	s2 =	sld [smem:$0x3FFD];
	_ =	sdelay $0x3  }
0x96: {  	_ =	strace s2  }
0x97: {  	_ =	strace $0x8FFFFFFF  }
0x98: {  	s18 =	sld [smem:$0x3FDB];
	_ =	sdelay $0x1  }
0x99: {  	s19 =	simm.s32 $_scs_section_size  }
0x9a: {  	s4 =	simm.s32 $_size__tile_overlayer_lowered;
	s5 =	simm.s32 $_tile_overlayer_lowered  }
0x9b: {  	s22 =	simm.s32 $0x1BFF;
	s21 =	sshll.u32 s5, $0x1;
	s2 =	sadd.s32 s19, s18  }
0x9c: {  	s6 =	simm.s32 $0x0;
	s20 =	sshll.u32 s4, $0x1;
	s4 =	sadd.s32 s21, s2  }
0x9d: {  	[timem:s6], [sflag:s22] =	dma.local [hbm:s4], s20  }
0x9e: {  	_ =	swait.ge [sflag:s22], s20  }
0x9f: {  	s3 =	ssub.s32 $0x0, s20;
	[sflag:s22] =	ssyncset.done $0x0  }
0xa0: {  	[sflag:s22] =	ssyncadd.s32 s3;
	_ =	sdelay $0x1  }
0xa1: {  	s23 =	simm.s32 $0x1B8B  }
0xa2: {  	_ =	swait.ge [sflag:s23], $0x1  }
0xa3: {  	[sflag:s23] =	ssyncset.done $0x0  }
0xa4: {  	s25 =	simm.s32 $0x1B8E;
	s24 =	sld [smem:$0x3FFE];
	[sflag:s23] =	ssyncadd.s32 $0xFFFFFFFF  }
0xa5: {  	s26 =	simm.s32 $execute0_lowered;
	[smem:$0x3FD2] =	sst s25  }
0xa6: {  	s4 =	sshll.u32 s26, $0x1;
	_ =	strace $0x80000046;
	[dreg:$0x1] =	wrdreg $0xFFFFFFFF  }
0xa7: {  	s28 =	simm.s32 $_size_execute0_lowered;
	s2 =	sadd.s32 s2, s4;
	[dreg:$0x0] =	wrdreg $0x0  }
0xa8: {  	s4 =	sshll.u32 s28, $0x1;
	[dreg:$0x2] =	wrdreg s2  }
0xa9: {  	[dreg:$0x3] =	wrdreg s4  }
0xaa: {  	[dreg:$0x4] =	wrdreg $0xC0  }
0xab: {  	_ =	task [dreg:s6], $0x5FFFF  }
0xac: {  	[dreg:$0x1] =	wrdreg $0xFFFFFFFF  }
0xad: {  	[dreg:$0x0] =	wrdreg $0x60  }
0xae: {  	[dreg:$0x2] =	wrdreg s24  }
0xaf: {  	[dreg:$0x3] =	wrdreg $0x9  }
0xb0: {  	_ =	task.clear_ibuf [dreg:s6], $0x4FFFF;
	_ =	strace $0x90000046  }
0xb1: {  	s29 =	simm.s32 $0x9;
	_ =	strace $0x80000048  }
0xb2: {  	_ =	swait.ge [sflag:s29], $0x1  }
0xb3: {  	[sflag:s29] =	ssyncadd.s32 $0xFFFFFFFF  }
0xb4: {  	_ =	strace $0x90000048  }
0xb5: {  	_ =	sfence  }
0xb6: {  	s30 =	sld [smem:$0x0];
	_ =	sdelay $0x2  }
0xb7: {  	s31 =	sshll.u32 s1, $0xD;
	s1 =	sshrl.u32 s1, $0x2  }
0xb8: {  	s3 =	sand.u32 $0x4000, s31;
	s1 =	sadd.s32 s1, s30  }
0xb9: {  	s0 =	sor.u32 s3, s0;
	s1 =	sshll.u32 s1, $0x11  }
0xba: {  	s0 =	sor.u32 s1, s0  }
0xbb: {  	s0 =	sadd.s32 $0x8F2B, s0  }
0xbc: {  	[sflag:s0] =	ssyncadd.remote.s32 $0x1  }
0xbd: {  	_ =	sfence.sel $0xFFFF  }
0xbe: {  	[dreg:$0x0] =	wrdreg $0xFFFFFFFF;
	(pc) =	sbr.abs _section_cstart, $3  }
0xbf: {  	[dreg:$0x1] =	wrdreg $0xFFFFFFFF  }
0xc0: {  	_ =	task.clear_ibuf [dreg:s6], $0x2FFFF;
	_ =	strace $0x9FFFFFFF  }
0xc1: {  	(tm) =	ssettm $0x7FFFFFFF  }
tec
execute0_lowered:
.L_overlay_start_1:
0x0: {  	(tag) =	ssettag $0x1  }
0x1: {  	s0 =	srdreg.scid  }
0x2: {  	s2 =	stileid.u32;
	s4 =	rddreg [dreg:$0x0]  }
0x3: {  	s10 =	simm.s32 $0x1C00;
	s13 =	simm.s32 $0x1;
	s14 =	simm.s32 $0xC400  }
0x4: {  	s24 =	simm.s32 $0x10000;
	s25 =	simm.s32 $0x10800;
	s28 =	simm.s32 $0x11400  }
0x5: {  	s29 =	simm.s32 $0x11800;
	s30 =	simm.s32 $0x12000;
	s31 =	simm.s32 $0x12400  }
0x6: {  	s9 =	simm.s32 $0x14400;
	s11 =	simm.s32 $0x14800;
	s12 =	simm.s32 $0x15000  }
0x7: {  	s15 =	simm.s32 $0x15400;
	s16 =	simm.s32 $0x15C00;
	s17 =	simm.s32 $0x16000  }
0x8: {  	s18 =	simm.s32 $0x16800;
	s19 =	simm.s32 $0x2;
	s20 =	simm.s32 $0x3  }
0x9: {  	s23 =	simm.s32 $0x0;
	s0 =	sand.u32 $0x1, s0;
	s1 =	sshll.u32 s2, $0x1  }
0xa: {  	s3 =	smul.u32 $0x3800, s2;
	s2 =	simm.s32 $0x0;
	s8 =	sadd.s32 $0x49B600, s4  }
0xb: {  	s1 =	sor.u32 s0, s1;
	s5 =	smul.u32 $0x1C00, s0;
	[smem:$0x7FF] =	sst s2  }
0xc: {  	s0 =	ssub.s32 $0x2, s0;
	s1 =	smul.u32 $0x1C00, s1;
	_ =	strace $0x80000047  }
0xd: {  	s7 =	sshrl.u32 s0, $0x1;
	s5 =	sadd.s32 s5, s3;
	s3 =	sadd.s32 $0x7800, s4  }
0xe: {  	s0 =	ssub.s32 s0, s7;
	s6 =	sor.u32 $0x70, s5;
	s5 =	sshrl.u32 s5, $0x3  }
0xf: {  	s1 =	sshrl.u32 s1, $0x3;
	s0 =	smax.u32 s0, $0x1;
	s26 =	smul.u32 $0x180, s5  }
.Ltmp0:
0x10: {  	s1 =	sadd.s32 s1, s4;
	s6 =	sshrl.u32 s6, $0x3;
	(pc) =	sbr.rel .LBB2_1-.Ltmp0, $4  }
0x11: {  	s5 =	sadd.s32 $0x7900, s4;
	[dreg:$0x3] =	wrdreg s0;
	s6 =	smul.u32 $0x180, s6  }
0x12: {  	v2 =	vlaneseq.u32;
	s0 =	simm.s32 $0x13000;
	s4 =	simm.s32 $0x13800;
	s1 =	sadd.s32 $0x800, s1  }
0x13: {  	vm0 =	vmmov $0xffff;
	vm1 =	vmmov $0xff;
	v1 =	vshrl.u32 v2, $0x3;
	[dreg:$0x2] =	wrdreg s1;
	s1 =	simm.s32 $0x12C00;
	s7 =	sadd.s32 s6, s8  }
0x14: {  	v0 =	vand.u32 $0x7, v2;
	v2 =	vor.u32 $0x8, v2;
	v1 =	vmul.u32 $0x8, v1;
	s8 =	sadd.s32 s26, s8;
	s26 =	simm.s32 $0x10C00;
	s6 =	simm.s32 $0x13C00  }
.LBB2_5:
0x15: {  	_ =	swait.ge [sflag:s20], $0xA800  }
0x16: {  	[sflag:s20] =	ssyncset.done $0x0  }
0x17: {  	s22 =	simm.s32 $0x4;
	[sflag:s20] =	ssyncadd.s32 $0xFFFF5800  }
0x18: {  	_ =	swait.ge [sflag:s22], $0xA800  }
0x19: {  	s23 =	rddreg [dreg:$0x4]  }
0x1a: {  	s21 =	rddreg [dreg:$0x3];
	s23 =	sadd.s32 $0x1, s23  }
0x1b: {  	p0 =	sne.s32 s23, s21  }
.Ltmp1:
0x1c: {  	_ = 	snop;
	(pc) =	sbr.rel @!p0 .LBB2_6-.Ltmp1, $3  }
0x1d: {  	_ =	sdelay $0x1  }
0x1e: {  	[sflag:s22] =	ssyncset.done $0x0  }
0x1f: {  	[sflag:s22] =	ssyncadd.s32 $0xFFFF5800  }
.LBB2_1:
0x20: {  	[dreg:$0x4] =	wrdreg s23  }
0x21: {  	s21 =	rddreg [dreg:$0x2];
	s22 =	simm.s32 $0x5  }
0x22: {  	[tilespmem:s2], [sflag:$0x5] =	stream.linear.gather [hbm4b:s21+s2], $0x1C00, $0x38;
	[tilespmem:$0x16C00] =	vst v63  }
0x23: {  	_ =	swait.ge [sflag:s22], $0x1C00  }
0x24: {  	[sflag:s22] =	ssyncset.done $0x0  }
0x25: {  	[sflag:s22] =	ssyncadd.s32 $0xFFFFE400  }
0x26: {  	v3 =	vld [tilespmem:$0x0];
	_ =	sdelay $0x4  }
0x27: {  	v4 =	vshrl.u32 v3, $0x3  }
0x28: {  	v4 =	vmul.u32 $0x18, v4  }
0x29: {  	v3 =	vand.u32 $0x7, v3  }
0x2a: {  	v3 =	vor.u32 v3, v4  }
0x2b: {  	v4 =	vperm.xlane v3, v0;
	_ =	sdelay $0x1  }
0x2c: {  	v4 =	vadd.s32 v1, v4;
	_ =	sdelay $0x1  }
0x2d: {  	v3 =	vperm.xlane v3, v2;
	_ =	sdelay $0x1  }
0x2e: {  	v3 =	vadd.s32 v1, v3  }
0x2f: {  	[tilespmem:s10], [sflag:$0x1] =	stream.indirect_vreg.gather [hbm4b:s3+s2], $0x80, v4, vm0, $0xb8;
	[tilespmem:$0x16C00] =	vst v63  }
0x30: {  	s23 =	simm.s32 $0x2400  }
0x31: {  	[tilespmem:s23], [sflag:$0x1] =	stream.indirect_vreg.gather [hbm4b:s5+s2], $0x80, v4, vm1, $0xb8;
	[tilespmem:$0x16C00] =	vst v63  }
0x32: {  	s22 =	simm.s32 $0x2800  }
0x33: {  	[tilespmem:s22], [sflag:$0x1] =	stream.indirect_vreg.gather [hbm4b:s3+s2], $0x80, v3, vm0, $0xb8;
	[tilespmem:$0x16C00] =	vst v63  }
0x34: {  	s23 =	simm.s32 $0x3000  }
0x35: {  	[tilespmem:s23], [sflag:$0x1] =	stream.indirect_vreg.gather [hbm4b:s5+s2], $0x80, v3, vm1, $0xb8;
	[tilespmem:$0x16C00] =	vst v63  }
0x36: {  	v3 =	vld [tilespmem:$0x10];
	_ =	sdelay $0x4  }
0x37: {  	v58 =	vshrl.u32 v3, $0x3  }
0x38: {  	v4 =	vmul.u32 $0x18, v58  }
0x39: {  	v3 =	vand.u32 $0x7, v3  }
0x3a: {  	v3 =	vor.u32 v3, v4  }
0x3b: {  	v4 =	vperm.xlane v3, v0;
	_ =	sdelay $0x1  }
0x3c: {  	v4 =	vadd.s32 v1, v4;
	_ =	sdelay $0x1  }
0x3d: {  	v3 =	vperm.xlane v3, v2;
	_ =	sdelay $0x1  }
0x3e: {  	s22 =	simm.s32 $0x3400;
	v3 =	vadd.s32 v1, v3  }
0x3f: {  	[tilespmem:s22], [sflag:$0x1] =	stream.indirect_vreg.gather [hbm4b:s3+s2], $0x80, v4, vm0, $0xb8;
	[tilespmem:$0x16C00] =	vst v63  }
0x40: {  	s23 =	simm.s32 $0x3C00  }
0x41: {  	[tilespmem:s23], [sflag:$0x1] =	stream.indirect_vreg.gather [hbm4b:s5+s2], $0x80, v4, vm1, $0xb8;
	[tilespmem:$0x16C00] =	vst v63  }
0x42: {  	s22 =	simm.s32 $0x4000  }
0x43: {  	[tilespmem:s22], [sflag:$0x1] =	stream.indirect_vreg.gather [hbm4b:s3+s2], $0x80, v3, vm0, $0xb8;
	[tilespmem:$0x16C00] =	vst v63  }
0x44: {  	s23 =	simm.s32 $0x4800  }
0x45: {  	[tilespmem:s23], [sflag:$0x1] =	stream.indirect_vreg.gather [hbm4b:s5+s2], $0x80, v3, vm1, $0xb8;
	[tilespmem:$0x16C00] =	vst v63  }
0x46: {  	v3 =	vld [tilespmem:$0x20];
	_ =	sdelay $0x4  }
0x47: {  	v59 =	vshrl.u32 v3, $0x3  }
0x48: {  	v4 =	vmul.u32 $0x18, v59  }
0x49: {  	v3 =	vand.u32 $0x7, v3  }
0x4a: {  	v3 =	vor.u32 v3, v4  }
0x4b: {  	v4 =	vperm.xlane v3, v0;
	_ =	sdelay $0x1  }
0x4c: {  	v4 =	vadd.s32 v1, v4;
	_ =	sdelay $0x1  }
0x4d: {  	v3 =	vperm.xlane v3, v2;
	_ =	sdelay $0x1  }
0x4e: {  	s22 =	simm.s32 $0x4C00;
	v3 =	vadd.s32 v1, v3  }
0x4f: {  	[tilespmem:s22], [sflag:$0x1] =	stream.indirect_vreg.gather [hbm4b:s3+s2], $0x80, v4, vm0, $0xb8;
	[tilespmem:$0x16C00] =	vst v63  }
0x50: {  	s23 =	simm.s32 $0x5400  }
0x51: {  	[tilespmem:s23], [sflag:$0x1] =	stream.indirect_vreg.gather [hbm4b:s5+s2], $0x80, v4, vm1, $0xb8;
	[tilespmem:$0x16C00] =	vst v63  }
0x52: {  	s22 =	simm.s32 $0x5800  }
0x53: {  	[tilespmem:s22], [sflag:$0x1] =	stream.indirect_vreg.gather [hbm4b:s3+s2], $0x80, v3, vm0, $0xb8;
	[tilespmem:$0x16C00] =	vst v63  }
0x54: {  	s23 =	simm.s32 $0x6000  }
0x55: {  	[tilespmem:s23], [sflag:$0x1] =	stream.indirect_vreg.gather [hbm4b:s5+s2], $0x80, v3, vm1, $0xb8;
	[tilespmem:$0x16C00] =	vst v63  }
0x56: {  	v3 =	vld [tilespmem:$0x30];
	_ =	sdelay $0x4  }
0x57: {  	v60 =	vshrl.u32 v3, $0x3  }
0x58: {  	v4 =	vmul.u32 $0x18, v60  }
0x59: {  	v3 =	vand.u32 $0x7, v3  }
0x5a: {  	v3 =	vor.u32 v3, v4  }
0x5b: {  	v4 =	vperm.xlane v3, v0;
	_ =	sdelay $0x1  }
0x5c: {  	v4 =	vadd.s32 v1, v4;
	_ =	sdelay $0x1  }
0x5d: {  	v3 =	vperm.xlane v3, v2;
	_ =	sdelay $0x1  }
0x5e: {  	s22 =	simm.s32 $0x6400;
	v3 =	vadd.s32 v1, v3  }
0x5f: {  	[tilespmem:s22], [sflag:$0x1] =	stream.indirect_vreg.gather [hbm4b:s3+s2], $0x80, v4, vm0, $0xb8;
	[tilespmem:$0x16C00] =	vst v63  }
0x60: {  	s23 =	simm.s32 $0x6C00  }
0x61: {  	[tilespmem:s23], [sflag:$0x1] =	stream.indirect_vreg.gather [hbm4b:s5+s2], $0x80, v4, vm1, $0xb8;
	[tilespmem:$0x16C00] =	vst v63  }
0x62: {  	s22 =	simm.s32 $0x7000  }
0x63: {  	[tilespmem:s22], [sflag:$0x1] =	stream.indirect_vreg.gather [hbm4b:s3+s2], $0x80, v3, vm0, $0xb8;
	[tilespmem:$0x16C00] =	vst v63  }
0x64: {  	s23 =	simm.s32 $0x7800  }
0x65: {  	[tilespmem:s23], [sflag:$0x1] =	stream.indirect_vreg.gather [hbm4b:s5+s2], $0x80, v3, vm1, $0xb8;
	[tilespmem:$0x16C00] =	vst v63  }
0x66: {  	v3 =	vld [tilespmem:$0x40];
	_ =	sdelay $0x4  }
0x67: {  	v61 =	vshrl.u32 v3, $0x3  }
0x68: {  	v4 =	vmul.u32 $0x18, v61  }
0x69: {  	v3 =	vand.u32 $0x7, v3  }
0x6a: {  	v3 =	vor.u32 v3, v4  }
0x6b: {  	v4 =	vperm.xlane v3, v0;
	_ =	sdelay $0x1  }
0x6c: {  	v4 =	vadd.s32 v1, v4;
	_ =	sdelay $0x1  }
0x6d: {  	v3 =	vperm.xlane v3, v2;
	_ =	sdelay $0x1  }
0x6e: {  	s22 =	simm.s32 $0x7C00;
	v3 =	vadd.s32 v1, v3  }
0x6f: {  	[tilespmem:s22], [sflag:$0x1] =	stream.indirect_vreg.gather [hbm4b:s3+s2], $0x80, v4, vm0, $0xb8;
	[tilespmem:$0x16C00] =	vst v63  }
0x70: {  	s23 =	simm.s32 $0x8400  }
0x71: {  	[tilespmem:s23], [sflag:$0x1] =	stream.indirect_vreg.gather [hbm4b:s5+s2], $0x80, v4, vm1, $0xb8;
	[tilespmem:$0x16C00] =	vst v63  }
0x72: {  	s22 =	simm.s32 $0x8800  }
0x73: {  	[tilespmem:s22], [sflag:$0x1] =	stream.indirect_vreg.gather [hbm4b:s3+s2], $0x80, v3, vm0, $0xb8;
	[tilespmem:$0x16C00] =	vst v63  }
0x74: {  	s23 =	simm.s32 $0x9000  }
0x75: {  	[tilespmem:s23], [sflag:$0x1] =	stream.indirect_vreg.gather [hbm4b:s5+s2], $0x80, v3, vm1, $0xb8;
	[tilespmem:$0x16C00] =	vst v63  }
0x76: {  	v3 =	vld [tilespmem:$0x50];
	_ =	sdelay $0x4  }
0x77: {  	v62 =	vshrl.u32 v3, $0x3  }
0x78: {  	v4 =	vmul.u32 $0x18, v62  }
0x79: {  	v3 =	vand.u32 $0x7, v3  }
0x7a: {  	v3 =	vor.u32 v3, v4  }
0x7b: {  	v4 =	vperm.xlane v3, v0;
	_ =	sdelay $0x1  }
0x7c: {  	v4 =	vadd.s32 v1, v4;
	_ =	sdelay $0x1  }
0x7d: {  	v3 =	vperm.xlane v3, v2;
	_ =	sdelay $0x1  }
0x7e: {  	s22 =	simm.s32 $0x9400;
	v3 =	vadd.s32 v1, v3  }
0x7f: {  	[tilespmem:s22], [sflag:$0x1] =	stream.indirect_vreg.gather [hbm4b:s3+s2], $0x80, v4, vm0, $0xb8;
	[tilespmem:$0x16C00] =	vst v63  }
0x80: {  	s23 =	simm.s32 $0x9C00  }
0x81: {  	[tilespmem:s23], [sflag:$0x1] =	stream.indirect_vreg.gather [hbm4b:s5+s2], $0x80, v4, vm1, $0xb8;
	[tilespmem:$0x16C00] =	vst v63  }
0x82: {  	s22 =	simm.s32 $0xA000  }
0x83: {  	[tilespmem:s22], [sflag:$0x1] =	stream.indirect_vreg.gather [hbm4b:s3+s2], $0x80, v3, vm0, $0xb8;
	[tilespmem:$0x16C00] =	vst v63  }
0x84: {  	s23 =	simm.s32 $0xA800  }
0x85: {  	[tilespmem:s23], [sflag:$0x1] =	stream.indirect_vreg.gather [hbm4b:s5+s2], $0x80, v3, vm1, $0xb8;
	[tilespmem:$0x16C00] =	vst v63  }
0x86: {  	v3 =	vld [tilespmem:$0x60];
	_ =	sdelay $0x4  }
0x87: {  	v63 =	vshrl.u32 v3, $0x3  }
0x88: {  	v4 =	vmul.u32 $0x18, v63  }
0x89: {  	v3 =	vand.u32 $0x7, v3  }
0x8a: {  	v3 =	vor.u32 v3, v4  }
0x8b: {  	v4 =	vperm.xlane v3, v0;
	_ =	sdelay $0x1  }
0x8c: {  	v4 =	vadd.s32 v1, v4;
	_ =	sdelay $0x2  }
0x8d: {  	v3 =	vperm.xlane v3, v2  }
0x8e: {  	s22 =	simm.s32 $0xAC00  }
0x8f: {  	v3 =	vadd.s32 v1, v3;
	[tilespmem:s22], [sflag:$0x1] =	stream.indirect_vreg.gather [hbm4b:s3+s2], $0x80, v4, vm0, $0xb8;
	[tilespmem:$0x16C00] =	vst v63  }
0x90: {  	s23 =	simm.s32 $0xB400  }
0x91: {  	[tilespmem:s23], [sflag:$0x1] =	stream.indirect_vreg.gather [hbm4b:s5+s2], $0x80, v4, vm1, $0xb8;
	[tilespmem:$0x16C00] =	vst v63  }
.Ltmp2:
0x92: {  	_ = 	snop;
	(pc) =	sbr.rel .LBB2_2-.Ltmp2, $4  }
0x93: {  	s22 =	simm.s32 $0xB800  }
0x94: {  	[tilespmem:s22], [sflag:$0x1] =	stream.indirect_vreg.gather [hbm4b:s3+s2], $0x80, v3, vm0, $0xb8;
	[tilespmem:$0x16C00] =	vst v63  }
0x95: {  	s21 =	simm.s32 $0xA0;
	s23 =	simm.s32 $0xC000;
	s22 =	simm.s32 $0x0  }
0x96: {  	[tilespmem:s23], [sflag:$0x1] =	stream.indirect_vreg.gather [hbm4b:s5+s2], $0x80, v3, vm1, $0xb8;
	[tilespmem:$0x16C00] =	vst v63  }
.LBB2_4:
0x97: {  	s23 =	sadd.s32 s22, s7;
	s22 =	sadd.s32 $0x2A00, s22  }
0x98: {  	p0 =	sne.s32 s22, $0x54000  }
.Ltmp3:
0x99: {  	_ = 	snop;
	(pc) =	sbr.rel @!p0 .LBB2_5-.Ltmp3, $3  }
0x9a: {  	_ =	sdelay $0x1  }
0x9b: {  	s21 =	sadd.s32 $0xE0, s21  }
0x9c: {  	[hbm4b:s23+s2] =	stream.linear.scatter [tilespmem:s14], [sflag:$0x4], $0xA800, $0x38;
	[tilespmem:$0x16C00] =	vst v63  }
.LBB2_2:
0x9d: {  	_ =	swait.ge [sflag:s13], $0xA800  }
0x9e: {  	p0 =	seq.s32 s22, $0x0;
	[sflag:s13] =	ssyncset.done $0x0  }
0x9f: {  	s23 =	simm.s32 @!p0 $0x4;
	[sflag:s13] =	ssyncadd.s32 $0xFFFF5800  }
0xa0: {  	_ =	swait.ge @!p0 [sflag:s23], $0xA800  }
0xa1: {  	[sflag:s23] =	ssyncset.done @!p0 $0x0  }
0xa2: {  	[sflag:s23] =	ssyncadd.s32 @!p0 $0xFFFF5800  }
0xa3: {  	v3 =	vld [tilespmem:s21+$0xFFFFFFD0];
	_ =	sdelay $0x4  }
0xa4: {  	v4 =	vshrl.u32 v3, $0x3  }
0xa5: {  	v4 =	vmul.u32 $0x18, v4  }
0xa6: {  	v3 =	vand.u32 $0x7, v3  }
0xa7: {  	v3 =	vor.u32 v3, v4  }
0xa8: {  	v4 =	vperm.xlane v3, v0;
	_ =	sdelay $0x1  }
0xa9: {  	v4 =	vadd.s32 v1, v4;
	_ =	sdelay $0x1  }
0xaa: {  	v3 =	vperm.xlane v3, v2;
	_ =	sdelay $0x1  }
0xab: {  	v3 =	vadd.s32 v1, v3  }
0xac: {  	[tilespmem:s14], [sflag:$0x2] =	stream.indirect_vreg.gather [hbm4b:s3+s2], $0x80, v4, vm0, $0xb8;
	[tilespmem:$0x16C00] =	vst v63  }
0xad: {  	s23 =	simm.s32 $0xCC00  }
0xae: {  	[tilespmem:s23], [sflag:$0x2] =	stream.indirect_vreg.gather [hbm4b:s5+s2], $0x80, v4, vm1, $0xb8;
	[tilespmem:$0x16C00] =	vst v63  }
0xaf: {  	s23 =	simm.s32 $0xD000  }
0xb0: {  	[tilespmem:s23], [sflag:$0x2] =	stream.indirect_vreg.gather [hbm4b:s3+s2], $0x80, v3, vm0, $0xb8;
	[tilespmem:$0x16C00] =	vst v63  }
0xb1: {  	s23 =	simm.s32 $0xD800  }
0xb2: {  	[tilespmem:s23], [sflag:$0x2] =	stream.indirect_vreg.gather [hbm4b:s5+s2], $0x80, v3, vm1, $0xb8;
	[tilespmem:$0x16C00] =	vst v63  }
0xb3: {  	v3 =	vld [tilespmem:s21+$0xFFFFFFE0];
	_ =	sdelay $0x4  }
0xb4: {  	v58 =	vshrl.u32 v3, $0x3  }
0xb5: {  	v4 =	vmul.u32 $0x18, v58  }
0xb6: {  	v3 =	vand.u32 $0x7, v3  }
0xb7: {  	v3 =	vor.u32 v3, v4  }
0xb8: {  	v4 =	vperm.xlane v3, v0;
	_ =	sdelay $0x1  }
0xb9: {  	v4 =	vadd.s32 v1, v4;
	_ =	sdelay $0x1  }
0xba: {  	v3 =	vperm.xlane v3, v2;
	_ =	sdelay $0x1  }
0xbb: {  	s23 =	simm.s32 $0xDC00;
	v3 =	vadd.s32 v1, v3  }
0xbc: {  	[tilespmem:s23], [sflag:$0x2] =	stream.indirect_vreg.gather [hbm4b:s3+s2], $0x80, v4, vm0, $0xb8;
	[tilespmem:$0x16C00] =	vst v63  }
0xbd: {  	s23 =	simm.s32 $0xE400  }
0xbe: {  	[tilespmem:s23], [sflag:$0x2] =	stream.indirect_vreg.gather [hbm4b:s5+s2], $0x80, v4, vm1, $0xb8;
	[tilespmem:$0x16C00] =	vst v63  }
0xbf: {  	s23 =	simm.s32 $0xE800  }
0xc0: {  	[tilespmem:s23], [sflag:$0x2] =	stream.indirect_vreg.gather [hbm4b:s3+s2], $0x80, v3, vm0, $0xb8;
	[tilespmem:$0x16C00] =	vst v63  }
0xc1: {  	s23 =	simm.s32 $0xF000  }
0xc2: {  	[tilespmem:s23], [sflag:$0x2] =	stream.indirect_vreg.gather [hbm4b:s5+s2], $0x80, v3, vm1, $0xb8;
	[tilespmem:$0x16C00] =	vst v63  }
0xc3: {  	v3 =	vld [tilespmem:s21+$0xFFFFFFF0];
	_ =	sdelay $0x4  }
0xc4: {  	v59 =	vshrl.u32 v3, $0x3  }
0xc5: {  	v4 =	vmul.u32 $0x18, v59  }
0xc6: {  	v3 =	vand.u32 $0x7, v3  }
0xc7: {  	v3 =	vor.u32 v3, v4  }
0xc8: {  	v4 =	vperm.xlane v3, v0;
	_ =	sdelay $0x1  }
0xc9: {  	v4 =	vadd.s32 v1, v4;
	_ =	sdelay $0x1  }
0xca: {  	v3 =	vperm.xlane v3, v2;
	_ =	sdelay $0x1  }
0xcb: {  	s23 =	simm.s32 $0xF400;
	v3 =	vadd.s32 v1, v3  }
0xcc: {  	[tilespmem:s23], [sflag:$0x2] =	stream.indirect_vreg.gather [hbm4b:s3+s2], $0x80, v4, vm0, $0xb8;
	[tilespmem:$0x16C00] =	vst v63  }
0xcd: {  	s23 =	simm.s32 $0xFC00  }
0xce: {  	[tilespmem:s23], [sflag:$0x2] =	stream.indirect_vreg.gather [hbm4b:s5+s2], $0x80, v4, vm1, $0xb8;
	[tilespmem:$0x16C00] =	vst v63  }
0xcf: {  	_ = 	snop  }
0xd0: {  	[tilespmem:s24], [sflag:$0x2] =	stream.indirect_vreg.gather [hbm4b:s3+s2], $0x80, v3, vm0, $0xb8;
	[tilespmem:$0x16C00] =	vst v63  }
0xd1: {  	_ = 	snop  }
0xd2: {  	[tilespmem:s25], [sflag:$0x2] =	stream.indirect_vreg.gather [hbm4b:s5+s2], $0x80, v3, vm1, $0xb8;
	[tilespmem:$0x16C00] =	vst v63  }
0xd3: {  	v3 =	vld [tilespmem:s21+$0x0];
	_ =	sdelay $0x4  }
0xd4: {  	v60 =	vshrl.u32 v3, $0x3  }
0xd5: {  	v4 =	vmul.u32 $0x18, v60  }
0xd6: {  	v3 =	vand.u32 $0x7, v3  }
0xd7: {  	v3 =	vor.u32 v3, v4  }
0xd8: {  	v4 =	vperm.xlane v3, v0;
	_ =	sdelay $0x1  }
0xd9: {  	v4 =	vadd.s32 v1, v4;
	_ =	sdelay $0x1  }
0xda: {  	v3 =	vperm.xlane v3, v2;
	_ =	sdelay $0x1  }
0xdb: {  	v3 =	vadd.s32 v1, v3  }
0xdc: {  	[tilespmem:s26], [sflag:$0x2] =	stream.indirect_vreg.gather [hbm4b:s3+s2], $0x80, v4, vm0, $0xb8;
	[tilespmem:$0x16C00] =	vst v63  }
0xdd: {  	_ = 	snop  }
0xde: {  	[tilespmem:s28], [sflag:$0x2] =	stream.indirect_vreg.gather [hbm4b:s5+s2], $0x80, v4, vm1, $0xb8;
	[tilespmem:$0x16C00] =	vst v63  }
0xdf: {  	_ = 	snop  }
0xe0: {  	[tilespmem:s29], [sflag:$0x2] =	stream.indirect_vreg.gather [hbm4b:s3+s2], $0x80, v3, vm0, $0xb8;
	[tilespmem:$0x16C00] =	vst v63  }
0xe1: {  	_ = 	snop  }
0xe2: {  	[tilespmem:s30], [sflag:$0x2] =	stream.indirect_vreg.gather [hbm4b:s5+s2], $0x80, v3, vm1, $0xb8;
	[tilespmem:$0x16C00] =	vst v63  }
0xe3: {  	v3 =	vld [tilespmem:s21+$0x10];
	_ =	sdelay $0x4  }
0xe4: {  	v61 =	vshrl.u32 v3, $0x3  }
0xe5: {  	v4 =	vmul.u32 $0x18, v61  }
0xe6: {  	v3 =	vand.u32 $0x7, v3  }
0xe7: {  	v3 =	vor.u32 v3, v4  }
0xe8: {  	v4 =	vperm.xlane v3, v0;
	_ =	sdelay $0x1  }
0xe9: {  	v4 =	vadd.s32 v1, v4;
	_ =	sdelay $0x1  }
0xea: {  	v3 =	vperm.xlane v3, v2;
	_ =	sdelay $0x1  }
0xeb: {  	v3 =	vadd.s32 v1, v3  }
0xec: {  	[tilespmem:s31], [sflag:$0x2] =	stream.indirect_vreg.gather [hbm4b:s3+s2], $0x80, v4, vm0, $0xb8;
	[tilespmem:$0x16C00] =	vst v63  }
0xed: {  	_ = 	snop  }
0xee: {  	[tilespmem:s1], [sflag:$0x2] =	stream.indirect_vreg.gather [hbm4b:s5+s2], $0x80, v4, vm1, $0xb8;
	[tilespmem:$0x16C00] =	vst v63  }
0xef: {  	_ = 	snop  }
0xf0: {  	[tilespmem:s0], [sflag:$0x2] =	stream.indirect_vreg.gather [hbm4b:s3+s2], $0x80, v3, vm0, $0xb8;
	[tilespmem:$0x16C00] =	vst v63  }
0xf1: {  	_ = 	snop  }
0xf2: {  	[tilespmem:s4], [sflag:$0x2] =	stream.indirect_vreg.gather [hbm4b:s5+s2], $0x80, v3, vm1, $0xb8;
	[tilespmem:$0x16C00] =	vst v63  }
0xf3: {  	v3 =	vld [tilespmem:s21+$0x20];
	_ =	sdelay $0x4  }
0xf4: {  	v62 =	vshrl.u32 v3, $0x3  }
0xf5: {  	v4 =	vmul.u32 $0x18, v62  }
0xf6: {  	v3 =	vand.u32 $0x7, v3  }
0xf7: {  	v3 =	vor.u32 v3, v4  }
0xf8: {  	v4 =	vperm.xlane v3, v0;
	_ =	sdelay $0x1  }
0xf9: {  	v4 =	vadd.s32 v1, v4;
	_ =	sdelay $0x1  }
0xfa: {  	v3 =	vperm.xlane v3, v2;
	_ =	sdelay $0x1  }
0xfb: {  	v3 =	vadd.s32 v1, v3  }
0xfc: {  	[tilespmem:s6], [sflag:$0x2] =	stream.indirect_vreg.gather [hbm4b:s3+s2], $0x80, v4, vm0, $0xb8;
	[tilespmem:$0x16C00] =	vst v63  }
0xfd: {  	_ = 	snop  }
0xfe: {  	[tilespmem:s9], [sflag:$0x2] =	stream.indirect_vreg.gather [hbm4b:s5+s2], $0x80, v4, vm1, $0xb8;
	[tilespmem:$0x16C00] =	vst v63  }
0xff: {  	_ = 	snop  }
0x100: {  	[tilespmem:s11], [sflag:$0x2] =	stream.indirect_vreg.gather [hbm4b:s3+s2], $0x80, v3, vm0, $0xb8;
	[tilespmem:$0x16C00] =	vst v63  }
0x101: {  	_ = 	snop  }
0x102: {  	[tilespmem:s12], [sflag:$0x2] =	stream.indirect_vreg.gather [hbm4b:s5+s2], $0x80, v3, vm1, $0xb8;
	[tilespmem:$0x16C00] =	vst v63  }
0x103: {  	v3 =	vld [tilespmem:s21+$0x30];
	_ =	sdelay $0x4  }
0x104: {  	v63 =	vshrl.u32 v3, $0x3  }
0x105: {  	v4 =	vmul.u32 $0x18, v63  }
0x106: {  	v3 =	vand.u32 $0x7, v3  }
0x107: {  	v3 =	vor.u32 v3, v4  }
0x108: {  	v4 =	vperm.xlane v3, v0;
	_ =	sdelay $0x1  }
0x109: {  	v4 =	vadd.s32 v1, v4;
	_ =	sdelay $0x1  }
0x10a: {  	v3 =	vperm.xlane v3, v2;
	_ =	sdelay $0x1  }
0x10b: {  	v3 =	vadd.s32 v1, v3  }
0x10c: {  	[tilespmem:s15], [sflag:$0x2] =	stream.indirect_vreg.gather [hbm4b:s3+s2], $0x80, v4, vm0, $0xb8;
	[tilespmem:$0x16C00] =	vst v63  }
0x10d: {  	_ = 	snop  }
0x10e: {  	[tilespmem:s16], [sflag:$0x2] =	stream.indirect_vreg.gather [hbm4b:s5+s2], $0x80, v4, vm1, $0xb8;
	[tilespmem:$0x16C00] =	vst v63  }
0x10f: {  	_ = 	snop  }
0x110: {  	[tilespmem:s17], [sflag:$0x2] =	stream.indirect_vreg.gather [hbm4b:s3+s2], $0x80, v3, vm0, $0xb8;
	[tilespmem:$0x16C00] =	vst v63  }
0x111: {  	p0 =	seq.s32 s22, $0x51600  }
0x112: {  	[tilespmem:s18], [sflag:$0x2] =	stream.indirect_vreg.gather [hbm4b:s5+s2], $0x80, v3, vm1, $0xb8;
	[tilespmem:$0x16C00] =	vst v63  }
.Ltmp4:
0x113: {  	s23 =	sadd.s32 s22, s8;
	(pc) =	sbr.rel @p0 .LBB2_4-.Ltmp4, $4  }
0x114: {  	[hbm4b:s23+s2] =	stream.linear.scatter [tilespmem:s10], [sflag:$0x3], $0xA800, $0x38;
	[tilespmem:$0x16C00] =	vst v63  }
0x115: {  	_ =	swait.ge [sflag:s19], $0xA800  }
0x116: {  	[sflag:s19] =	ssyncset.done $0x0  }
0x117: {  	[sflag:s19] =	ssyncadd.s32 $0xFFFF5800  }
0x118: {  	_ =	swait.ge [sflag:s20], $0xA800  }
0x119: {  	[sflag:s20] =	ssyncset.done $0x0  }
0x11a: {  	[sflag:s20] =	ssyncadd.s32 $0xFFFF5800  }
0x11b: {  	v3 =	vld [tilespmem:s21+$0x40];
	_ =	sdelay $0x4  }
0x11c: {  	v4 =	vshrl.u32 v3, $0x3  }
0x11d: {  	v4 =	vmul.u32 $0x18, v4  }
0x11e: {  	v3 =	vand.u32 $0x7, v3  }
0x11f: {  	v3 =	vor.u32 v3, v4  }
0x120: {  	v4 =	vperm.xlane v3, v0;
	_ =	sdelay $0x1  }
0x121: {  	v4 =	vadd.s32 v1, v4;
	_ =	sdelay $0x1  }
0x122: {  	v3 =	vperm.xlane v3, v2;
	_ =	sdelay $0x1  }
0x123: {  	v3 =	vadd.s32 v1, v3  }
0x124: {  	[tilespmem:s10], [sflag:$0x1] =	stream.indirect_vreg.gather [hbm4b:s3+s2], $0x80, v4, vm0, $0xb8;
	[tilespmem:$0x16C00] =	vst v63  }
0x125: {  	s23 =	simm.s32 $0x2400  }
0x126: {  	[tilespmem:s23], [sflag:$0x1] =	stream.indirect_vreg.gather [hbm4b:s5+s2], $0x80, v4, vm1, $0xb8;
	[tilespmem:$0x16C00] =	vst v63  }
0x127: {  	s23 =	simm.s32 $0x2800  }
0x128: {  	[tilespmem:s23], [sflag:$0x1] =	stream.indirect_vreg.gather [hbm4b:s3+s2], $0x80, v3, vm0, $0xb8;
	[tilespmem:$0x16C00] =	vst v63  }
0x129: {  	s23 =	simm.s32 $0x3000  }
0x12a: {  	[tilespmem:s23], [sflag:$0x1] =	stream.indirect_vreg.gather [hbm4b:s5+s2], $0x80, v3, vm1, $0xb8;
	[tilespmem:$0x16C00] =	vst v63  }
0x12b: {  	v3 =	vld [tilespmem:s21+$0x50];
	_ =	sdelay $0x4  }
0x12c: {  	v58 =	vshrl.u32 v3, $0x3  }
0x12d: {  	v4 =	vmul.u32 $0x18, v58  }
0x12e: {  	v3 =	vand.u32 $0x7, v3  }
0x12f: {  	v3 =	vor.u32 v3, v4  }
0x130: {  	v4 =	vperm.xlane v3, v0;
	_ =	sdelay $0x1  }
0x131: {  	v4 =	vadd.s32 v1, v4;
	_ =	sdelay $0x1  }
0x132: {  	v3 =	vperm.xlane v3, v2;
	_ =	sdelay $0x1  }
0x133: {  	s23 =	simm.s32 $0x3400;
	v3 =	vadd.s32 v1, v3  }
0x134: {  	[tilespmem:s23], [sflag:$0x1] =	stream.indirect_vreg.gather [hbm4b:s3+s2], $0x80, v4, vm0, $0xb8;
	[tilespmem:$0x16C00] =	vst v63  }
0x135: {  	s23 =	simm.s32 $0x3C00  }
0x136: {  	[tilespmem:s23], [sflag:$0x1] =	stream.indirect_vreg.gather [hbm4b:s5+s2], $0x80, v4, vm1, $0xb8;
	[tilespmem:$0x16C00] =	vst v63  }
0x137: {  	s23 =	simm.s32 $0x4000  }
0x138: {  	[tilespmem:s23], [sflag:$0x1] =	stream.indirect_vreg.gather [hbm4b:s3+s2], $0x80, v3, vm0, $0xb8;
	[tilespmem:$0x16C00] =	vst v63  }
0x139: {  	s23 =	simm.s32 $0x4800  }
0x13a: {  	[tilespmem:s23], [sflag:$0x1] =	stream.indirect_vreg.gather [hbm4b:s5+s2], $0x80, v3, vm1, $0xb8;
	[tilespmem:$0x16C00] =	vst v63  }
0x13b: {  	v3 =	vld [tilespmem:s21+$0x60];
	_ =	sdelay $0x4  }
0x13c: {  	v59 =	vshrl.u32 v3, $0x3  }
0x13d: {  	v4 =	vmul.u32 $0x18, v59  }
0x13e: {  	v3 =	vand.u32 $0x7, v3  }
0x13f: {  	v3 =	vor.u32 v3, v4  }
0x140: {  	v4 =	vperm.xlane v3, v0;
	_ =	sdelay $0x1  }
0x141: {  	v4 =	vadd.s32 v1, v4;
	_ =	sdelay $0x1  }
0x142: {  	v3 =	vperm.xlane v3, v2;
	_ =	sdelay $0x1  }
0x143: {  	s23 =	simm.s32 $0x4C00;
	v3 =	vadd.s32 v1, v3  }
0x144: {  	[tilespmem:s23], [sflag:$0x1] =	stream.indirect_vreg.gather [hbm4b:s3+s2], $0x80, v4, vm0, $0xb8;
	[tilespmem:$0x16C00] =	vst v63  }
0x145: {  	s23 =	simm.s32 $0x5400  }
0x146: {  	[tilespmem:s23], [sflag:$0x1] =	stream.indirect_vreg.gather [hbm4b:s5+s2], $0x80, v4, vm1, $0xb8;
	[tilespmem:$0x16C00] =	vst v63  }
0x147: {  	s23 =	simm.s32 $0x5800  }
0x148: {  	[tilespmem:s23], [sflag:$0x1] =	stream.indirect_vreg.gather [hbm4b:s3+s2], $0x80, v3, vm0, $0xb8;
	[tilespmem:$0x16C00] =	vst v63  }
0x149: {  	s23 =	simm.s32 $0x6000  }
0x14a: {  	[tilespmem:s23], [sflag:$0x1] =	stream.indirect_vreg.gather [hbm4b:s5+s2], $0x80, v3, vm1, $0xb8;
	[tilespmem:$0x16C00] =	vst v63  }
0x14b: {  	v3 =	vld [tilespmem:s21+$0x70];
	_ =	sdelay $0x4  }
0x14c: {  	v60 =	vshrl.u32 v3, $0x3  }
0x14d: {  	v4 =	vmul.u32 $0x18, v60  }
0x14e: {  	v3 =	vand.u32 $0x7, v3  }
0x14f: {  	v3 =	vor.u32 v3, v4  }
0x150: {  	v4 =	vperm.xlane v3, v0;
	_ =	sdelay $0x1  }
0x151: {  	v4 =	vadd.s32 v1, v4;
	_ =	sdelay $0x1  }
0x152: {  	v3 =	vperm.xlane v3, v2;
	_ =	sdelay $0x1  }
0x153: {  	s23 =	simm.s32 $0x6400;
	v3 =	vadd.s32 v1, v3  }
0x154: {  	[tilespmem:s23], [sflag:$0x1] =	stream.indirect_vreg.gather [hbm4b:s3+s2], $0x80, v4, vm0, $0xb8;
	[tilespmem:$0x16C00] =	vst v63  }
0x155: {  	s23 =	simm.s32 $0x6C00  }
0x156: {  	[tilespmem:s23], [sflag:$0x1] =	stream.indirect_vreg.gather [hbm4b:s5+s2], $0x80, v4, vm1, $0xb8;
	[tilespmem:$0x16C00] =	vst v63  }
0x157: {  	s23 =	simm.s32 $0x7000  }
0x158: {  	[tilespmem:s23], [sflag:$0x1] =	stream.indirect_vreg.gather [hbm4b:s3+s2], $0x80, v3, vm0, $0xb8;
	[tilespmem:$0x16C00] =	vst v63  }
0x159: {  	s23 =	simm.s32 $0x7800  }
0x15a: {  	[tilespmem:s23], [sflag:$0x1] =	stream.indirect_vreg.gather [hbm4b:s5+s2], $0x80, v3, vm1, $0xb8;
	[tilespmem:$0x16C00] =	vst v63  }
0x15b: {  	v3 =	vld [tilespmem:s21+$0x80];
	_ =	sdelay $0x4  }
0x15c: {  	v61 =	vshrl.u32 v3, $0x3  }
0x15d: {  	v4 =	vmul.u32 $0x18, v61  }
0x15e: {  	v3 =	vand.u32 $0x7, v3  }
0x15f: {  	v3 =	vor.u32 v3, v4  }
0x160: {  	v4 =	vperm.xlane v3, v0;
	_ =	sdelay $0x1  }
0x161: {  	v4 =	vadd.s32 v1, v4;
	_ =	sdelay $0x1  }
0x162: {  	v3 =	vperm.xlane v3, v2;
	_ =	sdelay $0x1  }
0x163: {  	s23 =	simm.s32 $0x7C00;
	v3 =	vadd.s32 v1, v3  }
0x164: {  	[tilespmem:s23], [sflag:$0x1] =	stream.indirect_vreg.gather [hbm4b:s3+s2], $0x80, v4, vm0, $0xb8;
	[tilespmem:$0x16C00] =	vst v63  }
0x165: {  	s23 =	simm.s32 $0x8400  }
0x166: {  	[tilespmem:s23], [sflag:$0x1] =	stream.indirect_vreg.gather [hbm4b:s5+s2], $0x80, v4, vm1, $0xb8;
	[tilespmem:$0x16C00] =	vst v63  }
0x167: {  	s23 =	simm.s32 $0x8800  }
0x168: {  	[tilespmem:s23], [sflag:$0x1] =	stream.indirect_vreg.gather [hbm4b:s3+s2], $0x80, v3, vm0, $0xb8;
	[tilespmem:$0x16C00] =	vst v63  }
0x169: {  	s23 =	simm.s32 $0x9000  }
0x16a: {  	[tilespmem:s23], [sflag:$0x1] =	stream.indirect_vreg.gather [hbm4b:s5+s2], $0x80, v3, vm1, $0xb8;
	[tilespmem:$0x16C00] =	vst v63  }
0x16b: {  	v3 =	vld [tilespmem:s21+$0x90];
	_ =	sdelay $0x4  }
0x16c: {  	v62 =	vshrl.u32 v3, $0x3  }
0x16d: {  	v4 =	vmul.u32 $0x18, v62  }
0x16e: {  	v3 =	vand.u32 $0x7, v3  }
0x16f: {  	v3 =	vor.u32 v3, v4  }
0x170: {  	v4 =	vperm.xlane v3, v0;
	_ =	sdelay $0x1  }
0x171: {  	v4 =	vadd.s32 v1, v4;
	_ =	sdelay $0x1  }
0x172: {  	v3 =	vperm.xlane v3, v2;
	_ =	sdelay $0x1  }
0x173: {  	s23 =	simm.s32 $0x9400;
	v3 =	vadd.s32 v1, v3  }
0x174: {  	[tilespmem:s23], [sflag:$0x1] =	stream.indirect_vreg.gather [hbm4b:s3+s2], $0x80, v4, vm0, $0xb8;
	[tilespmem:$0x16C00] =	vst v63  }
0x175: {  	s23 =	simm.s32 $0x9C00  }
0x176: {  	[tilespmem:s23], [sflag:$0x1] =	stream.indirect_vreg.gather [hbm4b:s5+s2], $0x80, v4, vm1, $0xb8;
	[tilespmem:$0x16C00] =	vst v63  }
0x177: {  	s23 =	simm.s32 $0xA000  }
0x178: {  	[tilespmem:s23], [sflag:$0x1] =	stream.indirect_vreg.gather [hbm4b:s3+s2], $0x80, v3, vm0, $0xb8;
	[tilespmem:$0x16C00] =	vst v63  }
0x179: {  	s23 =	simm.s32 $0xA800  }
0x17a: {  	[tilespmem:s23], [sflag:$0x1] =	stream.indirect_vreg.gather [hbm4b:s5+s2], $0x80, v3, vm1, $0xb8;
	[tilespmem:$0x16C00] =	vst v63  }
0x17b: {  	v3 =	vld [tilespmem:s21+$0xA0];
	_ =	sdelay $0x4  }
0x17c: {  	v63 =	vshrl.u32 v3, $0x3  }
0x17d: {  	v4 =	vmul.u32 $0x18, v63  }
0x17e: {  	v3 =	vand.u32 $0x7, v3  }
0x17f: {  	v3 =	vor.u32 v3, v4  }
0x180: {  	v4 =	vperm.xlane v3, v0;
	_ =	sdelay $0x1  }
0x181: {  	v4 =	vadd.s32 v1, v4;
	_ =	sdelay $0x2  }
0x182: {  	v3 =	vperm.xlane v3, v2  }
0x183: {  	s23 =	simm.s32 $0xAC00  }
0x184: {  	v3 =	vadd.s32 v1, v3;
	[tilespmem:s23], [sflag:$0x1] =	stream.indirect_vreg.gather [hbm4b:s3+s2], $0x80, v4, vm0, $0xb8;
	[tilespmem:$0x16C00] =	vst v63  }
0x185: {  	s23 =	simm.s32 $0xB400  }
0x186: {  	[tilespmem:s23], [sflag:$0x1] =	stream.indirect_vreg.gather [hbm4b:s5+s2], $0x80, v4, vm1, $0xb8;
	[tilespmem:$0x16C00] =	vst v63  }
.Ltmp5:
0x187: {  	_ = 	snop;
	(pc) =	sbr.rel .LBB2_4-.Ltmp5, $4  }
0x188: {  	s23 =	simm.s32 $0xB800  }
0x189: {  	[tilespmem:s23], [sflag:$0x1] =	stream.indirect_vreg.gather [hbm4b:s3+s2], $0x80, v3, vm0, $0xb8;
	[tilespmem:$0x16C00] =	vst v63  }
0x18a: {  	s23 =	simm.s32 $0xC000  }
0x18b: {  	[tilespmem:s23], [sflag:$0x1] =	stream.indirect_vreg.gather [hbm4b:s5+s2], $0x80, v3, vm1, $0xb8;
	[tilespmem:$0x16C00] =	vst v63  }
.LBB2_6:
0x18c: {  	_ =	sfence.sel $0x180000  }
0x18d: {  	[bflag:$0x0] =	sbarrier.arrive $0xFFFF  }
0x18e: {  	_ =	strace $0x90000047  }
0x18f: {  	s0 =	stileid.u32;
	[bflag:$0x2] =	sbarrier.arrive $0xFFFF  }
0x190: {  	p0 =	sne.s32 s0, $0x0;
	s0 =	rddreg [dreg:$0x1]  }
0x191: {  	s0 =	sadd.s32 @!p0 $0x100000, s0  }
0x192: {  	[sflag:s0] =	ssyncadd.tile.s32 @!p0 $0x1;
	_ =	shalt  }
.Lfunc_end2:
_tile_overlayer_lowered:
.L_overlay_start_2:
0x193: {  	(tag) =	ssettag $0x2  }
0x194: {  	s0 =	rddreg [dreg:$0x0];
	s2 =	stileid.u32  }
0x195: {  	s1 =	rddreg [dreg:$0x1];
	p0 =	sne.s32 s2, $0x0  }
0x196: {  	s3 =	rddreg [dreg:$0x2];
	[bflag:$0x3] =	sbarrier.arrive $0xFFFF;
	s2 =	simm.s32 @!p0 $0x1C05  }
0x197: {  	[timem:s3], [sflag:s2] =	dma.local @!p0 [hbm:s0], s1  }
0x198: {  	s0 =	simm.s32 @!p0 $0x5  }
0x199: {  	_ =	swait.ge @!p0 [sflag:s0], s1  }
0x19a: {  	s1 =	ssub.s32 @!p0 $0x0, s1;
	[sflag:s0] =	ssyncset.done @!p0 $0x0  }
0x19b: {  	[sflag:s0] =	ssyncadd.s32 @!p0 s1  }
0x19c: {  	[bflag:$0x3] =	sbarrier.arrive $0xFFFF  }
0x19d: {  	_ =	shalt  }

// kernel: sparse-core-data-format-call.cloned.1.call-start
scs
called_computation_lowered:
.L_overlay_start_0:
0x0: {  	s2 =	sld [smem:$0x3FD9]  }
0x1: {  	s3 =	sld [smem:$0x3FFE];
	_ =	sdelay $0x1  }
0x2: {  	s1 =	srdreg.scid  }
0x3: {  	s0 =	sand.u32 $0x1, s1  }
0x4: {  	s18 =	sshll.u32 s0, $0xA;
	s2 =	sadd.s32 s3, s2  }
0x5: {  	s2 =	sadd.s32 s2, s18  }
0x6: {  	[smem:$0x3FC6] =	sst s2  }
0x7: {  	_ = 	snop  }
0x8: {  	s2 =	sld [smem:$0x3FD0];
	(tm) =	ssettm $0x1  }
0x9: {  	s19 =	sld [smem:$0x3FFB];
	_ =	sdelay $0x3  }
0xa: {  	_ =	strace s19  }
0xb: {  	s3 =	sld [smem:$0x3FFC];
	_ =	sdelay $0x3  }
0xc: {  	_ =	strace s3  }
0xd: {  	s3 =	sld [smem:$0x3FFD];
	_ =	sdelay $0x3  }
0xe: {  	_ =	strace s3  }
0xf: {  	_ =	strace $0x8FFFFFFF  }
0x10: {  	s20 =	sld [smem:$0x3FDB];
	_ =	sdelay $0x1  }
0x11: {  	s4 =	simm.s32 $_scs_section_size  }
0x12: {  	s5 =	simm.s32 $_size__tile_overlayer_lowered;
	s6 =	simm.s32 $_tile_overlayer_lowered  }
0x13: {  	s23 =	simm.s32 $0x1BFF;
	s22 =	sshll.u32 s6, $0x1;
	s3 =	sadd.s32 s4, s20  }
0x14: {  	s7 =	simm.s32 $0x0;
	s21 =	sshll.u32 s5, $0x1;
	s5 =	sadd.s32 s22, s3  }
0x15: {  	[timem:s7], [sflag:s23] =	dma.local [hbm:s5], s21  }
0x16: {  	_ =	swait.ge [sflag:s23], s21  }
0x17: {  	s4 =	ssub.s32 $0x0, s21;
	[sflag:s23] =	ssyncset.done $0x0  }
0x18: {  	[sflag:s23] =	ssyncadd.s32 s4;
	_ =	sdelay $0x1  }
0x19: {  	s24 =	simm.s32 $0x1B8B  }
0x1a: {  	_ =	swait.ge [sflag:s24], $0x1  }
0x1b: {  	[sflag:s24] =	ssyncset.done $0x0  }
0x1c: {  	s26 =	simm.s32 $0x1B8E;
	s25 =	sld [smem:$0x3FFE];
	[sflag:s24] =	ssyncadd.s32 $0xFFFFFFFF  }
0x1d: {  	s27 =	simm.s32 $execute0_lowered;
	[smem:$0x3FD2] =	sst s26  }
0x1e: {  	s5 =	sshll.u32 s27, $0x1;
	_ =	strace $0x80000049;
	[dreg:$0x1] =	wrdreg $0xFFFFFFFF  }
0x1f: {  	s28 =	simm.s32 $_size_execute0_lowered;
	s3 =	sadd.s32 s3, s5;
	[dreg:$0x0] =	wrdreg $0x0  }
0x20: {  	s5 =	sshll.u32 s28, $0x1;
	[dreg:$0x2] =	wrdreg s3  }
0x21: {  	[dreg:$0x3] =	wrdreg s5  }
0x22: {  	[dreg:$0x4] =	wrdreg $0xC0  }
0x23: {  	_ =	task [dreg:s7], $0x5FFFF  }
0x24: {  	[dreg:$0x1] =	wrdreg $0xFFFFFFFF  }
0x25: {  	[dreg:$0x0] =	wrdreg $0x60  }
0x26: {  	[dreg:$0x2] =	wrdreg s25  }
0x27: {  	[dreg:$0x3] =	wrdreg s2  }
0x28: {  	[dreg:$0x4] =	wrdreg $0x9  }
0x29: {  	_ =	task.clear_ibuf [dreg:s7], $0x5FFFF;
	_ =	strace $0x90000049  }
0x2a: {  	s29 =	simm.s32 $0x9;
	_ =	strace $0x8000004B  }
0x2b: {  	_ =	swait.ge [sflag:s29], $0x1  }
0x2c: {  	[sflag:s29] =	ssyncadd.s32 $0xFFFFFFFF  }
0x2d: {  	_ =	strace $0x9000004B  }
0x2e: {  	_ =	sfence  }
0x2f: {  	s30 =	sld [smem:$0x0];
	_ =	sdelay $0x2  }
0x30: {  	s31 =	sshll.u32 s1, $0xD;
	s1 =	sshrl.u32 s1, $0x2  }
0x31: {  	s3 =	sand.u32 $0x4000, s31;
	s1 =	sadd.s32 s1, s30  }
0x32: {  	s0 =	sor.u32 s3, s0;
	s1 =	sshll.u32 s1, $0x11  }
0x33: {  	s0 =	sor.u32 s1, s0  }
0x34: {  	s0 =	sadd.s32 $0x8F2B, s0  }
0x35: {  	[sflag:s0] =	ssyncadd.remote.s32 $0x1  }
0x36: {  	_ =	sfence.sel $0xFFFF  }
0x37: {  	[dreg:$0x0] =	wrdreg $0xFFFFFFFF;
	(pc) =	sbr.abs _section_cstart, $3  }
0x38: {  	[dreg:$0x1] =	wrdreg $0xFFFFFFFF  }
0x39: {  	_ =	task.clear_ibuf [dreg:s7], $0x2FFFF;
	_ =	strace $0x9FFFFFFF  }
0x3a: {  	(tm) =	ssettm $0x7FFFFFFF  }
0x3b: {  	_ =	shalt  }
tec
execute0_lowered:
.L_overlay_start_1:
0x0: {  	(tag) =	ssettag $0x1  }
0x1: {  	s0 =	srdreg.scid;
	s6 =	rddreg [dreg:$0x0]  }
0x2: {  	s3 =	rddreg [dreg:$0x1];
	s1 =	sshll.u32 s0, $0x4  }
0x3: {  	s5 =	simm.s32 $0x1;
	s0 =	stileid.u32;
	s1 =	sand.u32 $0x10, s1  }
0x4: {  	s31 =	simm.s32 $0x2;
	s16 =	simm.s32 $0x0;
	s1 =	sor.u32 s0, s1  }
0x5: {  	s8 =	simm.s32 $0x8000;
	s18 =	simm.s32 $0x0;
	s2 =	sshll.u32 s1, $0x7  }
0x6: {  	s17 =	simm.s32 $0x0;
	s9 =	simm.s32 $0x0;
	s4 =	ssub.s32 $0x1000, s2  }
0x7: {  	s10 =	simm.s32 $0x0;
	s11 =	simm.s32 $0x0;
	s30 =	sand.u32 $0xF80, s4  }
0x8: {  	s12 =	simm.s32 $0x0;
	s13 =	simm.s32 $0x0;
	p0 =	sne.s32 s30, $0x0  }
.Ltmp0:
0x9: {  	s7 =	sshrl.u32 s4, $0xC;
	s5 =	simm.s32 @!p0 $0x0;
	(pc) =	sbr.rel .LBB1_1-.Ltmp0, $4  }
0xa: {  	s15 =	simm.s32 $0x0;
	s1 =	rddreg [dreg:$0x2];
	s5 =	sadd.s32 s5, s7  }
0xb: {  	_ =	strace $0x8000004A;
	s4 =	simm.s32 $0x1;
	s5 =	smul.u32 $0x96, s5  }
0xc: {  	s6 =	sadd.s32 $0x49B600, s6;
	s14 =	smov.u32 s2;
	[sflag:s4] =	ssyncpa.u1 $0x0  }
0xd: {  	[sflag:s31] =	ssyncpa.u1 $0x0;
	p0 =	por $0x0, $0x0;
	s7 =	sor.u32 $0x1, s5  }
.LBB1_4:
0xe: {  	s23 =	sshra.s32 s23, $0x2;
	s30 =	sshll.u32 s9, $0xC  }
0xf: {  	p1 =	sgt.s32 s10, $0x31;
	s24 =	smov.u32 s10;
	s25 =	sshra.s32 s10, $0x1F  }
0x10: {  	s26 =	sshll.u32 s11, $0x3;
	s28 =	smov.u32 s11;
	s29 =	sshra.s32 s11, $0x1F  }
0x11: {  	s22 =	sadd.s32 s23, s22;
	s24 =	simm.s32 @!p1 $0x31;
	s25 =	sand.u32 s25, s10  }
0x12: {  	s23 =	sand.u32 $0xFFFF8000, s30;
	s27 =	sand.u32 $0xFFFFFC00, s26;
	p1 =	sgt.s32 s9, $0xB0  }
0x13: {  	s31 =	sand.u32 s29, s11;
	s29 =	sshll.u32 s9, $0x7;
	s30 =	sshra.s32 s9, $0x1F  }
0x14: {  	[tilespmem:s21+$0x2040 ss:$0x81] =	vst.msk $0xffff, v4;
	s24 =	ssub.s32 s24, s25;
	s23 =	sadd.s32 s27, s23;
	s27 =	smov.u32 s9  }
0x15: {  	[tilespmem:s21+$0x2850 ss:$0x81] =	vst.msk $0xffff, v3;
	s29 =	sand.u32 $0x380, s29;
	s25 =	sadd.s32 $0xFFFFFFCF, s24;
	s27 =	simm.s32 @!p1 $0xB0  }
0x16: {  	v5 =	vld [tilespmem:s20+$0xFFFFFFD0];
	[tilespmem:s21+$0x3060 ss:$0x81] =	vst.msk $0xffff, v2;
	p1 =	sgt.s32 s11, $0xF80;
	s23 =	sshrl.u32 s23, $0xC;
	s24 =	ssub.s32 $0x32, s24  }
0x17: {  	v58 =	vld [tilespmem:s20+$0xFFFFFFE0];
	[tilespmem:s21+$0x0 ss:$0x81] =	vst.msk $0xffff, v1;
	s28 =	simm.s32 @!p1 $0xF80;
	p1 =	sgt.s32 s25, $0x0;
	s21 =	smulhi.u32 $0xD79436, s23  }
0x18: {  	v59 =	vld [tilespmem:s20+$0xFFFFFFF0];
	s25 =	ssub.s32 s28, s31;
	s28 =	sand.u32 s30, s9;
	s24 =	simm.s32 @p1 $0x0  }
0x19: {  	v60 =	vld [tilespmem:s20+$0x0];
	s27 =	ssub.s32 s27, s28;
	s31 =	sadd.s32 $0xFFFFF080, s25;
	s25 =	ssub.s32 $0x1000, s25  }
0x1a: {  	v61 =	vld [tilespmem:s20+$0x10];
	[tilespmem:s22+$0x3870 ss:$0x81] =	vst.msk $0xffff, v0;
	s21 =	smul.u32 $0x130, s21;
	s28 =	sand.u32 $0x7, s11;
	p1 =	sgt.s32 s31, $0x7F  }
0x1b: {  	v62 =	vld [tilespmem:s20+$0x20];
	[tilespmem:s22+$0x810 ss:$0x81] =	vst.msk $0xffff, v5;
	s30 =	sadd.s32 $0xFFFFFF50, s27;
	s31 =	sand.u32 $0x78, s11;
	s25 =	simm.s32 @p1 $0x0  }
0x1c: {  	v63 =	vld [tilespmem:s20+$0xFFFFFFC0];
	[tilespmem:s22+$0x1020 ss:$0x81] =	vst.msk $0xffff, v58;
	p1 =	sgt.s32 s30, $0x7F;
	s30 =	sand.u32 $0xC00, s26;
	s24 =	smul.u32 s25, s24  }
0x1d: {  	[tilespmem:s22+$0x1830 ss:$0x81] =	vst.msk $0xffff, v59;
	s26 =	ssub.s32 $0x130, s27;
	s20 =	sor.u32 s31, s30;
	s31 =	smul.u32 $0x26000, s10  }
0x1e: {  	[tilespmem:s22+$0x2040 ss:$0x81] =	vst.msk $0xffff, v60;
	s21 =	ssub.s32 s23, s21;
	s26 =	simm.s32 @p1 $0x0;
	s20 =	sor.u32 s29, s20  }
0x1f: {  	[tilespmem:s22+$0x2850 ss:$0x81] =	vst.msk $0xffff, v61;
	s26 =	smul.u32 s26, s24;
	s20 =	sshrl.u32 s20, $0x3;
	s27 =	sadd.s32 s3, s31  }
0x20: {  	[tilespmem:s22+$0x3060 ss:$0x81] =	vst.msk $0xffff, v62;
	s21 =	sshll.u32 s21, $0x9;
	s29 =	sshll.u32 s28, $0x12;
	s20 =	sadd.s32 s20, s27  }
0x21: {  	[tilespmem:s22+$0x0 ss:$0x81] =	vst.msk $0xffff, v63;
	s31 =	sor.u32 $0x400, s29;
	s30 =	sand.u32 $0x3FFFFFFF, s26;
	s20 =	sadd.s32 s21, s20  }
0x22: {  	[hbm4b:s20+s31] =	stream.strided.scatter [tilespmem:s19], [sflag:$0x2], s30, s8, s31, $0x20;
	[tilespmem:$0x10100] =	vst v63  }
.LBB1_5:
0x23: {  	p1 =	slt.u32 s15, $0x2  }
0x24: {  	p2 =	sgt.s32 @!p1 s18, $0x31  }
0x25: {  	s19 =	smov.u32 s18;
	s20 =	sshra.s32 @!p1 s18, $0x1F;
	p2 =	por !p2, p1  }
0x26: {  	s18 =	sand.u32 @!p1 s20, s18;
	s19 =	simm.s32 @p2 $0x31  }
0x27: {  	p3 =	sgt.s32 @!p1 s16, $0xB0;
	s18 =	ssub.s32 @!p1 s19, s18  }
0x28: {  	p4 =	sgt.s32 @!p1 s17, $0xF80;
	s21 =	sshra.s32 @!p1 s17, $0x1F;
	s19 =	sadd.s32 @!p1 $0xFFFFFFCF, s18  }
0x29: {  	s20 =	smov.u32 s16;
	p2 =	sgt.s32 @!p1 s19, $0x0;
	s19 =	sshra.s32 @!p1 s16, $0x1F  }
0x2a: {  	p4 =	por !p4, p1;
	s16 =	sand.u32 @!p1 s19, s16;
	s19 =	smov.u32 s17  }
0x2b: {  	p3 =	por !p3, p1;
	s17 =	sand.u32 @!p1 s21, s17;
	s19 =	simm.s32 @p4 $0xF80  }
0x2c: {  	s20 =	simm.s32 @p3 $0xB0;
	s18 =	ssub.s32 @!p1 $0x32, s18;
	s17 =	ssub.s32 @!p1 s19, s17  }
0x2d: {  	p2 =	por !p2, p1;
	s16 =	ssub.s32 @!p1 s20, s16;
	s20 =	sadd.s32 @!p1 $0xFFFFF080, s17  }
0x2e: {  	s18 =	simm.s32 @!p2 $0x0;
	p3 =	sgt.s32 @!p1 s20, $0x7F  }
0x2f: {  	s19 =	sadd.s32 @!p1 $0xFFFFFF50, s16;
	s17 =	ssub.s32 @!p1 $0x1000, s17;
	p3 =	por !p3, p1  }
0x30: {  	p2 =	sgt.s32 @!p1 s19, $0x7F;
	s19 =	sadd.s32 $0x80, s12;
	s17 =	simm.s32 @!p3 $0x0  }
0x31: {  	p3 =	sgt.s32 s19, $0x12B;
	s17 =	smul.u32 @!p1 s17, s18;
	s18 =	simm.s32 $0x1  }
0x32: {  	s16 =	ssub.s32 @!p1 $0x130, s16;
	p2 =	por !p2, p1;
	s18 =	simm.s32 @!p3 $0x0  }
0x33: {  	s21 =	smov.u32 s14;
	s16 =	simm.s32 @!p2 $0x0;
	s20 =	sadd.s32 s18, s13  }
0x34: {  	s16 =	smul.u32 @!p1 s16, s17;
	s17 =	sadd.s32 $0x1000, s14;
	p2 =	sgt.s32 s20, $0x31  }
0x35: {  	p0 =	por !p0, !p0;
	s22 =	simm.s32 @!p1 $0x2;
	s21 =	smov.u32 @p2 s17  }
0x36: {  	s19 =	simm.s32 @p3 $0x0;
	s20 =	simm.s32 @p2 $0x0;
	p2 =	sgt.s32 s21, $0xFFF  }
0x37: {  	s18 =	smov.u32 s10;
	s21 =	smov.u32 @p2 s2;
	p2 =	sne.s32 s15, s7  }
.Ltmp1:
0x38: {  	s10 =	smov.u32 s13;
	s16 =	sand.u32 @!p1 $0x3FFFFFFF, s16;
	(pc) =	sbr.rel @!p2 .LBB1_6-.Ltmp1, $4  }
0x39: {  	s17 =	smov.u32 s11;
	s11 =	smov.u32 s14;
	_ =	swait.ge @!p1 [sflag:s22], s16  }
0x3a: {  	s23 =	ssub.s32 @!p1 $0x0, s16;
	s16 =	smov.u32 s9;
	s9 =	smov.u32 s12  }
0x3b: {  	s12 =	smov.u32 s19;
	s13 =	smov.u32 s20;
	[sflag:s22] =	ssyncset.done @!p1 $0x0  }
0x3c: {  	s15 =	sadd.s32 $0x1, s15;
	[sflag:s22] =	ssyncadd.s32 @!p1 s23;
	s14 =	smov.u32 s21  }
.LBB1_1:
0x3d: {  	p1 =	sge.u32 s15, s5  }
0x3e: {  	s19 =	sshrl.u32 @!p1 s13, $0x3  }
0x3f: {  	s20 =	sshll.u32 @!p1 s12, $0x3;
	s19 =	smul.u32 @!p1 $0xC00, s19  }
0x40: {  	s21 =	sshll.u32 @!p1 s13, $0x7;
	s20 =	sand.u32 @!p1 $0xFFFFFC00, s20  }
0x41: {  	s19 =	sadd.s32 @!p1 s19, s20;
	s20 =	sand.u32 @!p1 $0x380, s21  }
0x42: {  	s19 =	sor.u32 @!p1 s20, s19  }
0x43: {  	s20 =	sand.u32 @!p1 $0x7F, s12;
	s21 =	smulhi.u32 @!p1 $0xAAAAAAAB, s19  }
0x44: {  	s19 =	sor.u32 @!p1 s20, s19  }
0x45: {  	s20 =	smulhi.u32 @!p1 $0xAAAAAAAB, s19;
	s21 =	sshrl.u32 @!p1 s21, $0x8  }
0x46: {  	s22 =	smulhi.u32 @!p1 $0x4924925, s21;
	_ =	sdelay $0x1  }
0x47: {  	s20 =	sshrl.u32 @!p1 s20, $0x8;
	s22 =	smul.u32 @!p1 $0x38, s22  }
0x48: {  	s31 =	sadd.s32 $0xFFFFFFFF, s15;
	s20 =	smul.u32 @!p1 $0x180, s20  }
0x49: {  	s23 =	sxor.u32 @!p1 $0xFFFFFFFF, s15;
	s21 =	ssub.s32 @!p1 s21, s22;
	s22 =	smul.u32 @!p1 $0xA80, s14  }
0x4a: {  	s23 =	sshll.u32 @!p1 s23, $0xE;
	s19 =	ssub.s32 @!p1 s19, s20;
	s20 =	smul.u32 @!p1 $0x30, s21  }
0x4b: {  	s21 =	sand.u32 @!p1 $0x4000, s23;
	s23 =	sand.u32 @!p1 $0x7, s19;
	s22 =	sadd.s32 @!p1 s6, s22  }
0x4c: {  	s19 =	sshrl.u32 @!p1 s19, $0x3;
	s20 =	sadd.s32 @!p1 s20, s22;
	s22 =	sshll.u32 @!p1 s23, $0x12  }
0x4d: {  	s19 =	sadd.s32 @!p1 s19, s20;
	s20 =	sor.u32 @!p1 $0x80, s22;
	s22 =	simm.s32 @!p1 $0x5400  }
0x4e: {  	[tilespmem:s21], [sflag:$0x1] =	stream.strided.gather @!p1 [hbm4b:s19+s20], $0x4000, s22, s20, $0x38;
	[tilespmem:$0x10100] =	vst v63  }
0x4f: {  	p1 =	sge.u32 s31, s5  }
.Ltmp2:
0x50: {  	_ = 	snop;
	(pc) =	sbr.rel @p1 .LBB1_5-.Ltmp2, $1  }
0x51: {  	_ =	sdelay $0x3  }
0x52: {  	s19 =	simm.s32 $0x1  }
0x53: {  	_ =	swait.ge [sflag:s4], $0x4000;
	s19 =	simm.s32 @!p0 $0x0  }
0x54: {  	[sflag:s4] =	ssyncset.done $0x0;
	s20 =	sshll.u32 s19, $0xE  }
0x55: {  	[sflag:s4] =	ssyncadd.s32 $0xFFFFC000;
	s20 =	sor.u32 $0x40, s20  }
0x56: {  	s19 =	smul.u32 $0x10200, s19;
	v0 =	vld [tilespmem:s20+$0x30]  }
0x57: {  	v1 =	vld [tilespmem:s20+$0xFFFFFFD0]  }
0x58: {  	s19 =	sshrl.u32 s19, $0x2;
	v5 =	vld [tilespmem:s20+$0xFFFFFFE0]  }
0x59: {  	v6 =	vld [tilespmem:s20+$0xFFFFFFF0];
	s22 =	sor.u32 $0x8000, s19  }
0x5a: {  	s31 =	sand.u32 $0x1, s15;
	v4 =	vld [tilespmem:s20+$0x0];
	s21 =	sadd.s32 $0x0, s22  }
0x5b: {  	v3 =	vld [tilespmem:s20+$0x10];
	s19 =	smul.u32 $0x10200, s31;
	[tilespmem:s21+$0x3870 ss:$0x81] =	vst.msk $0xffff, v0  }
0x5c: {  	v2 =	vld [tilespmem:s20+$0x20];
	[tilespmem:s21+$0x810 ss:$0x81] =	vst.msk $0xffff, v1  }
0x5d: {  	s19 =	sshrl.u32 s19, $0x2;
	v1 =	vld [tilespmem:s20+$0xFFFFFFC0];
	[tilespmem:s21+$0x1020 ss:$0x81] =	vst.msk $0xffff, v5;
	s20 =	sadd.s32 $0x80, s20  }
0x5e: {  	s23 =	simm.s32 $0x4;
	s24 =	simm.s32 $0x8;
	s19 =	sor.u32 $0x8000, s19;
	[tilespmem:s21+$0x1830 ss:$0x81] =	vst.msk $0xffff, v6;
	v0 =	vld [tilespmem:s20+$0x30]  }
.LBB1_3:
0x5f: {  	p1 =	sne.s32 s24, $0x1FC;
	v5 =	vld [tilespmem:s20+$0xFFFFFFD0];
	[tilespmem:s21+$0x2040 ss:$0x81] =	vst.msk $0xffff, v4  }
0x60: {  	v6 =	vld [tilespmem:s20+$0xFFFFFFE0];
	[tilespmem:s21+$0x2850 ss:$0x81] =	vst.msk $0xffff, v3  }
0x61: {  	s25 =	sshra.s32 s23, $0x2;
	s23 =	smov.u32 s24;
	v7 =	vld [tilespmem:s20+$0xFFFFFFF0];
	[tilespmem:s21+$0x3060 ss:$0x81] =	vst.msk $0xffff, v2  }
.Ltmp3:
0x62: {  	v4 =	vld [tilespmem:s20+$0x0];
	[tilespmem:s21+$0x0 ss:$0x81] =	vst.msk $0xffff, v1;
	s21 =	sadd.s32 s25, s22;
	(pc) =	sbr.rel @p1 .LBB1_3-.Ltmp3, $4  }
0x63: {  	v3 =	vld [tilespmem:s20+$0x10];
	[tilespmem:s21+$0x3870 ss:$0x81] =	vst.msk $0xffff, v0  }
0x64: {  	[tilespmem:s21+$0x810 ss:$0x81] =	vst.msk $0xffff, v5;
	v2 =	vld [tilespmem:s20+$0x20]  }
0x65: {  	v1 =	vld [tilespmem:s20+$0xFFFFFFC0];
	[tilespmem:s21+$0x1020 ss:$0x81] =	vst.msk $0xffff, v6;
	s20 =	sadd.s32 $0x80, s20  }
0x66: {  	s24 =	sadd.s32 $0x4, s24;
	v0 =	vld [tilespmem:s20+$0x30];
	[tilespmem:s21+$0x1830 ss:$0x81] =	vst.msk $0xffff, v7  }
.Ltmp4:
0x67: {  	_ = 	snop;
	(pc) =	sbr.rel .LBB1_4-.Ltmp4, $1  }
0x68: {  	_ =	sdelay $0x3  }
.LBB1_6:
0x69: {  	_ =	sfence.sel $0x180000  }
0x6a: {  	s2 =	simm.s32 $0x1;
	[bflag:$0x0] =	sbarrier.arrive $0xFFFF  }
0x6b: {  	s31 =	simm.s32 $0x2;
	[sflag:s2] =	ssyncpa.u1 $0x1  }
0x6c: {  	[sflag:s31] =	ssyncpa.u1 $0x1  }
0x6d: {  	p0 =	sne.s32 s0, $0x0;
	_ =	strace $0x9000004A  }
0x6e: {  	s0 =	sadd.s32 @!p0 $0x100000, s1;
	[bflag:$0x2] =	sbarrier.arrive $0xFFFF  }
0x6f: {  	[sflag:s0] =	ssyncadd.tile.s32 @!p0 $0x1;
	_ =	shalt  }
.Lfunc_end1:
_tile_overlayer_lowered:
.L_overlay_start_2:
0x70: {  	(tag) =	ssettag $0x2  }
0x71: {  	s0 =	rddreg [dreg:$0x0];
	s2 =	stileid.u32  }
0x72: {  	s1 =	rddreg [dreg:$0x1];
	p0 =	sne.s32 s2, $0x0  }
0x73: {  	s3 =	rddreg [dreg:$0x2];
	[bflag:$0x3] =	sbarrier.arrive $0xFFFF;
	s2 =	simm.s32 @!p0 $0x1C01  }
0x74: {  	[timem:s3], [sflag:s2] =	dma.local @!p0 [hbm:s0], s1  }
0x75: {  	s0 =	simm.s32 @!p0 $0x1  }
0x76: {  	_ =	swait.ge @!p0 [sflag:s0], s1  }
0x77: {  	s1 =	ssub.s32 @!p0 $0x0, s1;
	[sflag:s0] =	ssyncset.done @!p0 $0x0  }
0x78: {  	[sflag:s0] =	ssyncadd.s32 @!p0 s1  }
0x79: {  	[bflag:$0x3] =	sbarrier.arrive $0xFFFF  }
0x7a: {  	_ =	shalt  }

</sc_bundles>
